<compile_context>
chip_gen: v7x
topology: tpu7x:2x2x1
jax: 0.10.2.dev20260603
libtpu: 0.0.44.dev20260713+nightly
codegen_flags: <defaults>
</compile_context>

<pallas_src>
import functools

import jax
import jax.numpy as jnp
from jax import lax
from jax.experimental import pallas as pl
from jax.experimental.pallas import tpu as pltpu
from jax.experimental.pallas import tpu_sc as plsc

LATENT = 256
HIDDEN = 256
N_EXPERTS = 5
TOP_K = 2

_BLK = 8192
_EPAD = 8
_NEG = -1e30


def _mlp_kernel(x_ref, w1_ref, w2_ref, pb_ref, logits_ref):
    x = x_ref[...]
    h = jnp.dot(x, w1_ref[...], preferred_element_type=jnp.float32)
    h = jnp.maximum(h, 0.0)
    logits = jax.lax.dot_general(
        w2_ref[...], h, (((1,), (1,)), ((), ())),
        preferred_element_type=jnp.float32)
    logits_ref[...] = logits + pb_ref[...]


def _tc_logits(x, W1, W2):
    tokens = x.shape[0]
    grid = tokens // _BLK
    w1t = W1.T
    w2p = jnp.zeros((_EPAD, HIDDEN), jnp.float32).at[:N_EXPERTS].set(W2)
    pad_bias = jnp.full((_EPAD, 1), _NEG, jnp.float32).at[:N_EXPERTS].set(0.0)
    return pl.pallas_call(
        _mlp_kernel,
        grid=(grid,),
        in_specs=[
            pl.BlockSpec((_BLK, LATENT), lambda i: (i, 0)),
            pl.BlockSpec((LATENT, HIDDEN), lambda i: (0, 0)),
            pl.BlockSpec((_EPAD, HIDDEN), lambda i: (0, 0)),
            pl.BlockSpec((_EPAD, 1), lambda i: (0, 0)),
        ],
        out_specs=pl.BlockSpec((_EPAD, _BLK), lambda i: (0, i)),
        out_shape=jax.ShapeDtypeStruct((_EPAD, tokens), jnp.float32),
    )(x, w1t, w2p, pad_bias)


def _sc_gating(logits_flat, tokens):
    info = plsc.get_sparse_core_info()
    nw = info.num_cores * info.num_subcores
    per_w = tokens // nw
    steps = per_w // 16
    mesh = plsc.VectorSubcoreMesh(core_axis_name="c", subcore_axis_name="s")

    @functools.partial(
        pl.kernel, mesh=mesh,
        out_type=[
            jax.ShapeDtypeStruct((N_EXPERTS * tokens,), jnp.float32),
            jax.ShapeDtypeStruct((TOP_K * tokens,), jnp.int32),
        ],
        scratch_types=(
            [pltpu.VMEM((per_w,), jnp.float32) for _ in range(N_EXPERTS)]
            + [pltpu.VMEM((per_w,), jnp.float32) for _ in range(N_EXPERTS)]
            + [pltpu.VMEM((per_w,), jnp.int32) for _ in range(TOP_K)]
        ),
    )
    def k(lg_hbm, gates_hbm, idx_hbm, *scr):
        lg_v = scr[:N_EXPERTS]
        g_v = scr[N_EXPERTS:2 * N_EXPERTS]
        i_v = scr[2 * N_EXPERTS:]
        wid = lax.axis_index("s") * info.num_cores + lax.axis_index("c")
        base = wid * per_w
        for e in range(N_EXPERTS):
            pltpu.sync_copy(lg_hbm.at[pl.ds(e * tokens + base, per_w)], lg_v[e])

        def body(j, carry):
            ds = pl.ds(j * 16, 16)
            v = [lg_v[e][ds] for e in range(N_EXPERTS)]
            zero = jnp.zeros((16,), jnp.int32)
            m1 = v[0]
            i1 = zero
            for e in range(1, N_EXPERTS):
                gt = v[e] > m1
                m1 = jnp.where(gt, v[e], m1)
                i1 = jnp.where(gt, jnp.full((16,), e, jnp.int32), i1)
            neg = jnp.full((16,), _NEG, jnp.float32)
            m2 = jnp.where(i1 == 0, neg, v[0])
            i2 = zero
            for e in range(1, N_EXPERTS):
                cand = jnp.where(i1 == e, neg, v[e])
                gt = cand > m2
                m2 = jnp.where(gt, cand, m2)
                i2 = jnp.where(gt, jnp.full((16,), e, jnp.int32), i2)
            d = jnp.exp(m2 - m1)
            r = 1.0 / (1.0 + d)
            g1 = r
            g2 = d * r
            zf = jnp.zeros((16,), jnp.float32)
            for e in range(N_EXPERTS):
                g_v[e][ds] = jnp.where(i1 == e, g1, jnp.where(i2 == e, g2, zf))
            i_v[0][ds] = i1
            i_v[1][ds] = i2
            return carry

        jax.lax.fori_loop(0, steps, body, 0)
        for e in range(N_EXPERTS):
            pltpu.sync_copy(g_v[e], gates_hbm.at[pl.ds(e * tokens + base, per_w)])
        for t in range(TOP_K):
            pltpu.sync_copy(i_v[t], idx_hbm.at[pl.ds(t * tokens + base, per_w)])

    return k(logits_flat)


def kernel(x, W1, b1, W2, b2):
    tokens = x.shape[0]
    logits_t = _tc_logits(x, W1, W2)
    logits_flat = logits_t[:N_EXPERTS].reshape(-1)
    gates_f, idx_f = _sc_gating(logits_flat, tokens)
    return (gates_f.reshape(N_EXPERTS, tokens).T,
            idx_f.reshape(TOP_K, tokens).T)

# --- scband reference (transcript-rebuilt; emitter-appended) ---
"""Pipeline reference for scband-gating-37598143709808 (READ-ONLY COPY).

The authoritative reference and input builder live on the scoring server;
editing this copy changes nothing except your own understanding.
"""

import jax, jax.numpy as jnp
import numpy as np

LATENT = 256
HIDDEN = 256
N_EXPERTS = 5
TOP_K = 2
TOKENS = 32768


def setup_inputs(seed: int = 0) -> dict:
    key = jax.random.key(seed)
    k1, k2, k3 = jax.random.split(key, 3)
    x = jax.random.normal(k1, (TOKENS, LATENT), dtype=jnp.float32)
    # torch.nn.Linear(in, out) weight has shape (out, in); forward is x @ W.T + b
    W1 = jax.random.normal(k2, (HIDDEN, LATENT), dtype=jnp.float32) * (1.0 / np.sqrt(LATENT))
    b1 = jnp.zeros((HIDDEN,), dtype=jnp.float32)
    W2 = jax.random.normal(k3, (N_EXPERTS, HIDDEN), dtype=jnp.float32) * (1.0 / np.sqrt(HIDDEN))
    b2 = jnp.zeros((N_EXPERTS,), dtype=jnp.float32)
    return {"x": x, "W1": W1, "b1": b1, "W2": W2, "b2": b2}


def reference(x, W1, b1, W2, b2):
    # net: Linear(256,256) -> ReLU -> Linear(256,5)
    h = jnp.maximum(x @ W1.T + b1, 0.0)
    logits = h @ W2.T + b2
    # topk over expert dim
    top_logits, top_idx = jax.lax.top_k(logits, TOP_K)
    top_gate = jax.nn.softmax(top_logits, axis=1)
    # scatter softmaxed gates back into dense [tokens, n_experts] tensor
    rows = jnp.arange(logits.shape[0])[:, None]
    gates = jnp.zeros_like(logits).at[rows, top_idx].set(top_gate)
    return gates, top_idx

if __name__ == "__main__":
    import jax
    _d = setup_inputs()
    print(jax.jit(kernel)(*tuple(_d.values())))

</pallas_src>

<mosaic_0001>
#map = affine_map<(d0, d1) -> (0)>
module attributes {stable_mosaic.version = 14 : i64} {
  func.func @k(%arg0: i32, %arg1: i32, %arg2: memref<163840xf32, #tpu.memory_space<hbm>>, %arg3: memref<163840xf32, #tpu.memory_space<hbm>>, %arg4: memref<65536xi32, #tpu.memory_space<hbm>>, %arg5: memref<1024xf32, #tpu.memory_space<vmem>>, %arg6: memref<1024xf32, #tpu.memory_space<vmem>>, %arg7: memref<1024xf32, #tpu.memory_space<vmem>>, %arg8: memref<1024xf32, #tpu.memory_space<vmem>>, %arg9: memref<1024xf32, #tpu.memory_space<vmem>>, %arg10: memref<1024xf32, #tpu.memory_space<vmem>>, %arg11: memref<1024xf32, #tpu.memory_space<vmem>>, %arg12: memref<1024xf32, #tpu.memory_space<vmem>>, %arg13: memref<1024xf32, #tpu.memory_space<vmem>>, %arg14: memref<1024xf32, #tpu.memory_space<vmem>>, %arg15: memref<1024xi32, #tpu.memory_space<vmem>>, %arg16: memref<1024xi32, #tpu.memory_space<vmem>>) attributes {dimension_semantics = [#tpu.dimension_semantics<core_parallel>, #tpu.dimension_semantics<subcore_parallel>], iteration_bounds = array<i64: 2, 16>, scalar_prefetch = 0 : i64, scratch_operands = 12 : i64, tpu.core_type = #tpu.core_type<sc_vector_subcore>, window_params = [{transform_indices = #map}, {transform_indices = #map}, {transform_indices = #map}]} {
    %mul3A = arith.constant 2 : i32
    %mul3A_0 = arith.muli %arg1, %mul3A : i32
    %add3A = arith.addi %mul3A_0, %arg0 : i32
    %mul3A_1 = arith.constant 1024 : i32
    %mul3A_2 = arith.muli %add3A, %mul3A_1 : i32
    %add3A_3 = arith.constant 0 : i32
    %add3A_4 = arith.addi %add3A_3, %mul3A_2 : i32
    "tpu.region"() ({
      %run_scoped3A = tpu.sem_alloc : memref<!tpu.dma_semaphore, #tpu.memory_space<semaphore_mem>>
      %dma_start3A = tpu.memref_slice %arg2[%add3A_4] : memref<163840xf32, #tpu.memory_space<hbm>> -> memref<1024xf32, #tpu.memory_space<hbm>>
      %dma_start3A_32 = tpu.memref_slice %arg2[%add3A_4] : memref<163840xf32, #tpu.memory_space<hbm>> -> memref<1024xf32, #tpu.memory_space<hbm>>
      tpu.enqueue_dma source(%dma_start3A_32 : memref<1024xf32, #tpu.memory_space<hbm>>) target(%arg5 : memref<1024xf32, #tpu.memory_space<vmem>>) target_semaphore(%run_scoped3A : memref<!tpu.dma_semaphore, #tpu.memory_space<semaphore_mem>>)
      %dma_wait3A = tpu.memref_slice %arg2[%add3A_4] : memref<163840xf32, #tpu.memory_space<hbm>> -> memref<1024xf32, #tpu.memory_space<hbm>>
      %dma_wait3A_33 = tpu.memref_slice %arg2[%add3A_4] : memref<163840xf32, #tpu.memory_space<hbm>> -> memref<1024xf32, #tpu.memory_space<hbm>>
      tpu.wait_dma2 semaphore(%run_scoped3A : memref<!tpu.dma_semaphore, #tpu.memory_space<semaphore_mem>>) src(%dma_wait3A_33 : memref<1024xf32, #tpu.memory_space<hbm>>) dst(%arg5 : memref<1024xf32, #tpu.memory_space<vmem>>)
      tpu.yield
    }) : () -> ()
    %add3A_5 = arith.constant 32768 : i32
    %add3A_6 = arith.addi %add3A_5, %mul3A_2 : i32
    "tpu.region"() ({
      %run_scoped3A = tpu.sem_alloc : memref<!tpu.dma_semaphore, #tpu.memory_space<semaphore_mem>>
      %dma_start3A = tpu.memref_slice %arg2[%add3A_6] : memref<163840xf32, #tpu.memory_space<hbm>> -> memref<1024xf32, #tpu.memory_space<hbm>>
      %dma_start3A_32 = tpu.memref_slice %arg2[%add3A_6] : memref<163840xf32, #tpu.memory_space<hbm>> -> memref<1024xf32, #tpu.memory_space<hbm>>
      tpu.enqueue_dma source(%dma_start3A_32 : memref<1024xf32, #tpu.memory_space<hbm>>) target(%arg6 : memref<1024xf32, #tpu.memory_space<vmem>>) target_semaphore(%run_scoped3A : memref<!tpu.dma_semaphore, #tpu.memory_space<semaphore_mem>>)
      %dma_wait3A = tpu.memref_slice %arg2[%add3A_6] : memref<163840xf32, #tpu.memory_space<hbm>> -> memref<1024xf32, #tpu.memory_space<hbm>>
      %dma_wait3A_33 = tpu.memref_slice %arg2[%add3A_6] : memref<163840xf32, #tpu.memory_space<hbm>> -> memref<1024xf32, #tpu.memory_space<hbm>>
      tpu.wait_dma2 semaphore(%run_scoped3A : memref<!tpu.dma_semaphore, #tpu.memory_space<semaphore_mem>>) src(%dma_wait3A_33 : memref<1024xf32, #tpu.memory_space<hbm>>) dst(%arg6 : memref<1024xf32, #tpu.memory_space<vmem>>)
      tpu.yield
    }) : () -> ()
    %add3A_7 = arith.constant 65536 : i32
    %add3A_8 = arith.addi %add3A_7, %mul3A_2 : i32
    "tpu.region"() ({
      %run_scoped3A = tpu.sem_alloc : memref<!tpu.dma_semaphore, #tpu.memory_space<semaphore_mem>>
      %dma_start3A = tpu.memref_slice %arg2[%add3A_8] : memref<163840xf32, #tpu.memory_space<hbm>> -> memref<1024xf32, #tpu.memory_space<hbm>>
      %dma_start3A_32 = tpu.memref_slice %arg2[%add3A_8] : memref<163840xf32, #tpu.memory_space<hbm>> -> memref<1024xf32, #tpu.memory_space<hbm>>
      tpu.enqueue_dma source(%dma_start3A_32 : memref<1024xf32, #tpu.memory_space<hbm>>) target(%arg7 : memref<1024xf32, #tpu.memory_space<vmem>>) target_semaphore(%run_scoped3A : memref<!tpu.dma_semaphore, #tpu.memory_space<semaphore_mem>>)
      %dma_wait3A = tpu.memref_slice %arg2[%add3A_8] : memref<163840xf32, #tpu.memory_space<hbm>> -> memref<1024xf32, #tpu.memory_space<hbm>>
      %dma_wait3A_33 = tpu.memref_slice %arg2[%add3A_8] : memref<163840xf32, #tpu.memory_space<hbm>> -> memref<1024xf32, #tpu.memory_space<hbm>>
      tpu.wait_dma2 semaphore(%run_scoped3A : memref<!tpu.dma_semaphore, #tpu.memory_space<semaphore_mem>>) src(%dma_wait3A_33 : memref<1024xf32, #tpu.memory_space<hbm>>) dst(%arg7 : memref<1024xf32, #tpu.memory_space<vmem>>)
      tpu.yield
    }) : () -> ()
    %add3A_9 = arith.constant 98304 : i32
    %add3A_10 = arith.addi %add3A_9, %mul3A_2 : i32
    "tpu.region"() ({
      %run_scoped3A = tpu.sem_alloc : memref<!tpu.dma_semaphore, #tpu.memory_space<semaphore_mem>>
      %dma_start3A = tpu.memref_slice %arg2[%add3A_10] : memref<163840xf32, #tpu.memory_space<hbm>> -> memref<1024xf32, #tpu.memory_space<hbm>>
      %dma_start3A_32 = tpu.memref_slice %arg2[%add3A_10] : memref<163840xf32, #tpu.memory_space<hbm>> -> memref<1024xf32, #tpu.memory_space<hbm>>
      tpu.enqueue_dma source(%dma_start3A_32 : memref<1024xf32, #tpu.memory_space<hbm>>) target(%arg8 : memref<1024xf32, #tpu.memory_space<vmem>>) target_semaphore(%run_scoped3A : memref<!tpu.dma_semaphore, #tpu.memory_space<semaphore_mem>>)
      %dma_wait3A = tpu.memref_slice %arg2[%add3A_10] : memref<163840xf32, #tpu.memory_space<hbm>> -> memref<1024xf32, #tpu.memory_space<hbm>>
      %dma_wait3A_33 = tpu.memref_slice %arg2[%add3A_10] : memref<163840xf32, #tpu.memory_space<hbm>> -> memref<1024xf32, #tpu.memory_space<hbm>>
      tpu.wait_dma2 semaphore(%run_scoped3A : memref<!tpu.dma_semaphore, #tpu.memory_space<semaphore_mem>>) src(%dma_wait3A_33 : memref<1024xf32, #tpu.memory_space<hbm>>) dst(%arg8 : memref<1024xf32, #tpu.memory_space<vmem>>)
      tpu.yield
    }) : () -> ()
    %add3A_11 = arith.constant 131072 : i32
    %add3A_12 = arith.addi %add3A_11, %mul3A_2 : i32
    "tpu.region"() ({
      %run_scoped3A = tpu.sem_alloc : memref<!tpu.dma_semaphore, #tpu.memory_space<semaphore_mem>>
      %dma_start3A = tpu.memref_slice %arg2[%add3A_12] : memref<163840xf32, #tpu.memory_space<hbm>> -> memref<1024xf32, #tpu.memory_space<hbm>>
      %dma_start3A_32 = tpu.memref_slice %arg2[%add3A_12] : memref<163840xf32, #tpu.memory_space<hbm>> -> memref<1024xf32, #tpu.memory_space<hbm>>
      tpu.enqueue_dma source(%dma_start3A_32 : memref<1024xf32, #tpu.memory_space<hbm>>) target(%arg9 : memref<1024xf32, #tpu.memory_space<vmem>>) target_semaphore(%run_scoped3A : memref<!tpu.dma_semaphore, #tpu.memory_space<semaphore_mem>>)
      %dma_wait3A = tpu.memref_slice %arg2[%add3A_12] : memref<163840xf32, #tpu.memory_space<hbm>> -> memref<1024xf32, #tpu.memory_space<hbm>>
      %dma_wait3A_33 = tpu.memref_slice %arg2[%add3A_12] : memref<163840xf32, #tpu.memory_space<hbm>> -> memref<1024xf32, #tpu.memory_space<hbm>>
      tpu.wait_dma2 semaphore(%run_scoped3A : memref<!tpu.dma_semaphore, #tpu.memory_space<semaphore_mem>>) src(%dma_wait3A_33 : memref<1024xf32, #tpu.memory_space<hbm>>) dst(%arg9 : memref<1024xf32, #tpu.memory_space<vmem>>)
      tpu.yield
    }) : () -> ()
    %scan3A = arith.constant 0 : i32
    %scan3A_13 = arith.constant 0 : i32
    %scan3A_14 = arith.constant 64 : i32
    %scan3A_15 = arith.addi %scan3A_13, %scan3A_14 : i32
    %scan3A_16 = arith.constant 1 : i32
    scf.for %scan3A_32 = %scan3A_13 to %scan3A_15 step %scan3A_16  : i32 {
      %mul3A_33 = arith.constant 16 : i32
      %mul3A_34 = arith.muli %scan3A_32, %mul3A_33 : i32
      %get3A = arith.index_cast %mul3A_34 : i32 to index
      %get3A_35 = tpu.vector_load %arg5[%get3A] {strides = array<i32>} : memref<1024xf32, #tpu.memory_space<vmem>>, vector<16xf32>,
      %get3A_36 = vector.shape_cast %get3A_35 : vector<16xf32> to vector<16xf32>
      %get3A_37 = arith.index_cast %mul3A_34 : i32 to index
      %get3A_38 = tpu.vector_load %arg6[%get3A_37] {strides = array<i32>} : memref<1024xf32, #tpu.memory_space<vmem>>, vector<16xf32>,
      %get3A_39 = vector.shape_cast %get3A_38 : vector<16xf32> to vector<16xf32>
      %get3A_40 = arith.index_cast %mul3A_34 : i32 to index
      %get3A_41 = tpu.vector_load %arg7[%get3A_40] {strides = array<i32>} : memref<1024xf32, #tpu.memory_space<vmem>>, vector<16xf32>,
      %get3A_42 = vector.shape_cast %get3A_41 : vector<16xf32> to vector<16xf32>
      %get3A_43 = arith.index_cast %mul3A_34 : i32 to index
      %get3A_44 = tpu.vector_load %arg8[%get3A_43] {strides = array<i32>} : memref<1024xf32, #tpu.memory_space<vmem>>, vector<16xf32>,
      %get3A_45 = vector.shape_cast %get3A_44 : vector<16xf32> to vector<16xf32>
      %get3A_46 = arith.index_cast %mul3A_34 : i32 to index
      %get3A_47 = tpu.vector_load %arg9[%get3A_46] {strides = array<i32>} : memref<1024xf32, #tpu.memory_space<vmem>>, vector<16xf32>,
      %get3A_48 = vector.shape_cast %get3A_47 : vector<16xf32> to vector<16xf32>
      %broadcast_in_dim3A = arith.constant 0 : i32
      %broadcast_in_dim3A_49 = vector.broadcast %broadcast_in_dim3A : i32 to vector<16xi32>
      %gt3A = arith.cmpf ogt, %get3A_39, %get3A_36 : vector<16xf32>
      %select_n3A = arith.select %gt3A, %get3A_39, %get3A_36 : vector<16xi1>, vector<16xf32>
      %broadcast_in_dim3A_50 = arith.constant 1 : i32
      %broadcast_in_dim3A_51 = vector.broadcast %broadcast_in_dim3A_50 : i32 to vector<16xi32>
      %select_n3A_52 = arith.select %gt3A, %broadcast_in_dim3A_51, %broadcast_in_dim3A_49 : vector<16xi1>, vector<16xi32>
      %gt3A_53 = arith.cmpf ogt, %get3A_42, %select_n3A : vector<16xf32>
      %select_n3A_54 = arith.select %gt3A_53, %get3A_42, %select_n3A : vector<16xi1>, vector<16xf32>
      %broadcast_in_dim3A_55 = arith.constant 2 : i32
      %broadcast_in_dim3A_56 = vector.broadcast %broadcast_in_dim3A_55 : i32 to vector<16xi32>
      %select_n3A_57 = arith.select %gt3A_53, %broadcast_in_dim3A_56, %select_n3A_52 : vector<16xi1>, vector<16xi32>
      %gt3A_58 = arith.cmpf ogt, %get3A_45, %select_n3A_54 : vector<16xf32>
      %select_n3A_59 = arith.select %gt3A_58, %get3A_45, %select_n3A_54 : vector<16xi1>, vector<16xf32>
      %broadcast_in_dim3A_60 = arith.constant 3 : i32
      %broadcast_in_dim3A_61 = vector.broadcast %broadcast_in_dim3A_60 : i32 to vector<16xi32>
      %select_n3A_62 = arith.select %gt3A_58, %broadcast_in_dim3A_61, %select_n3A_57 : vector<16xi1>, vector<16xi32>
      %gt3A_63 = arith.cmpf ogt, %get3A_48, %select_n3A_59 : vector<16xf32>
      %select_n3A_64 = arith.select %gt3A_63, %get3A_48, %select_n3A_59 : vector<16xi1>, vector<16xf32>
      %broadcast_in_dim3A_65 = arith.constant 4 : i32
      %broadcast_in_dim3A_66 = vector.broadcast %broadcast_in_dim3A_65 : i32 to vector<16xi32>
      %select_n3A_67 = arith.select %gt3A_63, %broadcast_in_dim3A_66, %select_n3A_62 : vector<16xi1>, vector<16xi32>
      %broadcast_in_dim3A_68 = arith.constant -1.000000e+30 : f32
      %broadcast_in_dim3A_69 = vector.broadcast %broadcast_in_dim3A_68 : f32 to vector<16xf32>
      %eq3A = arith.constant 0 : i32
      %eq3A_70 = vector.broadcast %eq3A : i32 to vector<16xi32>
      %eq3A_71 = arith.cmpi eq, %select_n3A_67, %eq3A_70 : vector<16xi32>
      %select_n3A_72 = arith.select %eq3A_71, %broadcast_in_dim3A_69, %get3A_36 : vector<16xi1>, vector<16xf32>
      %eq3A_73 = arith.constant 1 : i32
      %eq3A_74 = vector.broadcast %eq3A_73 : i32 to vector<16xi32>
      %eq3A_75 = arith.cmpi eq, %select_n3A_67, %eq3A_74 : vector<16xi32>
      %select_n3A_76 = arith.select %eq3A_75, %broadcast_in_dim3A_69, %get3A_39 : vector<16xi1>, vector<16xf32>
      %gt3A_77 = arith.cmpf ogt, %select_n3A_76, %select_n3A_72 : vector<16xf32>
      %select_n3A_78 = arith.select %gt3A_77, %select_n3A_76, %select_n3A_72 : vector<16xi1>, vector<16xf32>
      %broadcast_in_dim3A_79 = arith.constant 1 : i32
      %broadcast_in_dim3A_80 = vector.broadcast %broadcast_in_dim3A_79 : i32 to vector<16xi32>
      %select_n3A_81 = arith.select %gt3A_77, %broadcast_in_dim3A_80, %broadcast_in_dim3A_49 : vector<16xi1>, vector<16xi32>
      %eq3A_82 = arith.constant 2 : i32
      %eq3A_83 = vector.broadcast %eq3A_82 : i32 to vector<16xi32>
      %eq3A_84 = arith.cmpi eq, %select_n3A_67, %eq3A_83 : vector<16xi32>
      %select_n3A_85 = arith.select %eq3A_84, %broadcast_in_dim3A_69, %get3A_42 : vector<16xi1>, vector<16xf32>
      %gt3A_86 = arith.cmpf ogt, %select_n3A_85, %select_n3A_78 : vector<16xf32>
      %select_n3A_87 = arith.select %gt3A_86, %select_n3A_85, %select_n3A_78 : vector<16xi1>, vector<16xf32>
      %broadcast_in_dim3A_88 = arith.constant 2 : i32
      %broadcast_in_dim3A_89 = vector.broadcast %broadcast_in_dim3A_88 : i32 to vector<16xi32>
      %select_n3A_90 = arith.select %gt3A_86, %broadcast_in_dim3A_89, %select_n3A_81 : vector<16xi1>, vector<16xi32>
      %eq3A_91 = arith.constant 3 : i32
      %eq3A_92 = vector.broadcast %eq3A_91 : i32 to vector<16xi32>
      %eq3A_93 = arith.cmpi eq, %select_n3A_67, %eq3A_92 : vector<16xi32>
      %select_n3A_94 = arith.select %eq3A_93, %broadcast_in_dim3A_69, %get3A_45 : vector<16xi1>, vector<16xf32>
      %gt3A_95 = arith.cmpf ogt, %select_n3A_94, %select_n3A_87 : vector<16xf32>
      %select_n3A_96 = arith.select %gt3A_95, %select_n3A_94, %select_n3A_87 : vector<16xi1>, vector<16xf32>
      %broadcast_in_dim3A_97 = arith.constant 3 : i32
      %broadcast_in_dim3A_98 = vector.broadcast %broadcast_in_dim3A_97 : i32 to vector<16xi32>
      %select_n3A_99 = arith.select %gt3A_95, %broadcast_in_dim3A_98, %select_n3A_90 : vector<16xi1>, vector<16xi32>
      %eq3A_100 = arith.constant 4 : i32
      %eq3A_101 = vector.broadcast %eq3A_100 : i32 to vector<16xi32>
      %eq3A_102 = arith.cmpi eq, %select_n3A_67, %eq3A_101 : vector<16xi32>
      %select_n3A_103 = arith.select %eq3A_102, %broadcast_in_dim3A_69, %get3A_48 : vector<16xi1>, vector<16xf32>
      %gt3A_104 = arith.cmpf ogt, %select_n3A_103, %select_n3A_96 : vector<16xf32>
      %select_n3A_105 = arith.select %gt3A_104, %select_n3A_103, %select_n3A_96 : vector<16xi1>, vector<16xf32>
      %broadcast_in_dim3A_106 = arith.constant 4 : i32
      %broadcast_in_dim3A_107 = vector.broadcast %broadcast_in_dim3A_106 : i32 to vector<16xi32>
      %select_n3A_108 = arith.select %gt3A_104, %broadcast_in_dim3A_107, %select_n3A_99 : vector<16xi1>, vector<16xi32>
      %sub3A = arith.subf %select_n3A_105, %select_n3A_64 : vector<16xf32>
      %exp3A = math.exp %sub3A : vector<16xf32>
      %add3A_109 = arith.constant 1.000000e+00 : f32
      %add3A_110 = vector.broadcast %add3A_109 : f32 to vector<16xf32>
      %add3A_111 = arith.addf %add3A_110, %exp3A : vector<16xf32>
      %div3A = arith.constant 1.000000e+00 : f32
      %div3A_112 = vector.broadcast %div3A : f32 to vector<16xf32>
      %div3A_113 = arith.divf %div3A_112, %add3A_111 : vector<16xf32>
      %mul3A_114 = arith.mulf %exp3A, %div3A_113 : vector<16xf32>
      %broadcast_in_dim3A_115 = arith.constant 0.000000e+00 : f32
      %broadcast_in_dim3A_116 = vector.broadcast %broadcast_in_dim3A_115 : f32 to vector<16xf32>
      %eq3A_117 = arith.constant 0 : i32
      %eq3A_118 = vector.broadcast %eq3A_117 : i32 to vector<16xi32>
      %eq3A_119 = arith.cmpi eq, %select_n3A_67, %eq3A_118 : vector<16xi32>
      %eq3A_120 = arith.constant 0 : i32
      %eq3A_121 = vector.broadcast %eq3A_120 : i32 to vector<16xi32>
      %eq3A_122 = arith.cmpi eq, %select_n3A_108, %eq3A_121 : vector<16xi32>
      %select_n3A_123 = arith.select %eq3A_122, %mul3A_114, %broadcast_in_dim3A_116 : vector<16xi1>, vector<16xf32>
      %select_n3A_124 = arith.select %eq3A_119, %div3A_113, %select_n3A_123 : vector<16xi1>, vector<16xf32>
      %swap3A = arith.index_cast %mul3A_34 : i32 to index
      %swap3A_125 = tpu.vector_load %arg10[%swap3A] {strides = array<i32>} : memref<1024xf32, #tpu.memory_space<vmem>>, vector<16xf32>,
      %swap3A_126 = vector.shape_cast %swap3A_125 : vector<16xf32> to vector<16xf32>
      %swap3A_127 = vector.shape_cast %select_n3A_124 : vector<16xf32> to vector<16xf32>
      tpu.vector_store %arg10[%swap3A], %swap3A_127 {strides = array<i32>} : memref<1024xf32, #tpu.memory_space<vmem>>, vector<16xf32>,
      %eq3A_128 = arith.constant 1 : i32
      %eq3A_129 = vector.broadcast %eq3A_128 : i32 to vector<16xi32>
      %eq3A_130 = arith.cmpi eq, %select_n3A_67, %eq3A_129 : vector<16xi32>
      %eq3A_131 = arith.constant 1 : i32
      %eq3A_132 = vector.broadcast %eq3A_131 : i32 to vector<16xi32>
      %eq3A_133 = arith.cmpi eq, %select_n3A_108, %eq3A_132 : vector<16xi32>
      %select_n3A_134 = arith.select %eq3A_133, %mul3A_114, %broadcast_in_dim3A_116 : vector<16xi1>, vector<16xf32>
      %select_n3A_135 = arith.select %eq3A_130, %div3A_113, %select_n3A_134 : vector<16xi1>, vector<16xf32>
      %swap3A_136 = arith.index_cast %mul3A_34 : i32 to index
      %swap3A_137 = tpu.vector_load %arg11[%swap3A_136] {strides = array<i32>} : memref<1024xf32, #tpu.memory_space<vmem>>, vector<16xf32>,
      %swap3A_138 = vector.shape_cast %swap3A_137 : vector<16xf32> to vector<16xf32>
      %swap3A_139 = vector.shape_cast %select_n3A_135 : vector<16xf32> to vector<16xf32>
      tpu.vector_store %arg11[%swap3A_136], %swap3A_139 {strides = array<i32>} : memref<1024xf32, #tpu.memory_space<vmem>>, vector<16xf32>,
      %eq3A_140 = arith.constant 2 : i32
      %eq3A_141 = vector.broadcast %eq3A_140 : i32 to vector<16xi32>
      %eq3A_142 = arith.cmpi eq, %select_n3A_67, %eq3A_141 : vector<16xi32>
      %eq3A_143 = arith.constant 2 : i32
      %eq3A_144 = vector.broadcast %eq3A_143 : i32 to vector<16xi32>
      %eq3A_145 = arith.cmpi eq, %select_n3A_108, %eq3A_144 : vector<16xi32>
      %select_n3A_146 = arith.select %eq3A_145, %mul3A_114, %broadcast_in_dim3A_116 : vector<16xi1>, vector<16xf32>
      %select_n3A_147 = arith.select %eq3A_142, %div3A_113, %select_n3A_146 : vector<16xi1>, vector<16xf32>
      %swap3A_148 = arith.index_cast %mul3A_34 : i32 to index
      %swap3A_149 = tpu.vector_load %arg12[%swap3A_148] {strides = array<i32>} : memref<1024xf32, #tpu.memory_space<vmem>>, vector<16xf32>,
      %swap3A_150 = vector.shape_cast %swap3A_149 : vector<16xf32> to vector<16xf32>
      %swap3A_151 = vector.shape_cast %select_n3A_147 : vector<16xf32> to vector<16xf32>
      tpu.vector_store %arg12[%swap3A_148], %swap3A_151 {strides = array<i32>} : memref<1024xf32, #tpu.memory_space<vmem>>, vector<16xf32>,
      %eq3A_152 = arith.constant 3 : i32
      %eq3A_153 = vector.broadcast %eq3A_152 : i32 to vector<16xi32>
      %eq3A_154 = arith.cmpi eq, %select_n3A_67, %eq3A_153 : vector<16xi32>
      %eq3A_155 = arith.constant 3 : i32
      %eq3A_156 = vector.broadcast %eq3A_155 : i32 to vector<16xi32>
      %eq3A_157 = arith.cmpi eq, %select_n3A_108, %eq3A_156 : vector<16xi32>
      %select_n3A_158 = arith.select %eq3A_157, %mul3A_114, %broadcast_in_dim3A_116 : vector<16xi1>, vector<16xf32>
      %select_n3A_159 = arith.select %eq3A_154, %div3A_113, %select_n3A_158 : vector<16xi1>, vector<16xf32>
      %swap3A_160 = arith.index_cast %mul3A_34 : i32 to index
      %swap3A_161 = tpu.vector_load %arg13[%swap3A_160] {strides = array<i32>} : memref<1024xf32, #tpu.memory_space<vmem>>, vector<16xf32>,
      %swap3A_162 = vector.shape_cast %swap3A_161 : vector<16xf32> to vector<16xf32>
      %swap3A_163 = vector.shape_cast %select_n3A_159 : vector<16xf32> to vector<16xf32>
      tpu.vector_store %arg13[%swap3A_160], %swap3A_163 {strides = array<i32>} : memref<1024xf32, #tpu.memory_space<vmem>>, vector<16xf32>,
      %eq3A_164 = arith.constant 4 : i32
      %eq3A_165 = vector.broadcast %eq3A_164 : i32 to vector<16xi32>
      %eq3A_166 = arith.cmpi eq, %select_n3A_67, %eq3A_165 : vector<16xi32>
      %eq3A_167 = arith.constant 4 : i32
      %eq3A_168 = vector.broadcast %eq3A_167 : i32 to vector<16xi32>
      %eq3A_169 = arith.cmpi eq, %select_n3A_108, %eq3A_168 : vector<16xi32>
      %select_n3A_170 = arith.select %eq3A_169, %mul3A_114, %broadcast_in_dim3A_116 : vector<16xi1>, vector<16xf32>
      %select_n3A_171 = arith.select %eq3A_166, %div3A_113, %select_n3A_170 : vector<16xi1>, vector<16xf32>
      %swap3A_172 = arith.index_cast %mul3A_34 : i32 to index
      %swap3A_173 = tpu.vector_load %arg14[%swap3A_172] {strides = array<i32>} : memref<1024xf32, #tpu.memory_space<vmem>>, vector<16xf32>,
      %swap3A_174 = vector.shape_cast %swap3A_173 : vector<16xf32> to vector<16xf32>
      %swap3A_175 = vector.shape_cast %select_n3A_171 : vector<16xf32> to vector<16xf32>
      tpu.vector_store %arg14[%swap3A_172], %swap3A_175 {strides = array<i32>} : memref<1024xf32, #tpu.memory_space<vmem>>, vector<16xf32>,
      %swap3A_176 = arith.index_cast %mul3A_34 : i32 to index
      %swap3A_177 = tpu.vector_load %arg15[%swap3A_176] {strides = array<i32>} : memref<1024xi32, #tpu.memory_space<vmem>>, vector<16xi32>,
      %swap3A_178 = vector.shape_cast %swap3A_177 : vector<16xi32> to vector<16xi32>
      %swap3A_179 = vector.shape_cast %select_n3A_67 : vector<16xi32> to vector<16xi32>
      tpu.vector_store %arg15[%swap3A_176], %swap3A_179 {strides = array<i32>} : memref<1024xi32, #tpu.memory_space<vmem>>, vector<16xi32>,
      %swap3A_180 = arith.index_cast %mul3A_34 : i32 to index
      %swap3A_181 = tpu.vector_load %arg16[%swap3A_180] {strides = array<i32>} : memref<1024xi32, #tpu.memory_space<vmem>>, vector<16xi32>,
      %swap3A_182 = vector.shape_cast %swap3A_181 : vector<16xi32> to vector<16xi32>
      %swap3A_183 = vector.shape_cast %select_n3A_108 : vector<16xi32> to vector<16xi32>
      tpu.vector_store %arg16[%swap3A_180], %swap3A_183 {strides = array<i32>} : memref<1024xi32, #tpu.memory_space<vmem>>, vector<16xi32>,
    }
    %scan3A_17 = arith.constant 64 : i32
    %add3A_18 = arith.constant 0 : i32
    %add3A_19 = arith.addi %add3A_18, %mul3A_2 : i32
    "tpu.region"() ({
      %run_scoped3A = tpu.sem_alloc : memref<!tpu.dma_semaphore, #tpu.memory_space<semaphore_mem>>
      %dma_start3A = tpu.memref_slice %arg3[%add3A_19] : memref<163840xf32, #tpu.memory_space<hbm>> -> memref<1024xf32, #tpu.memory_space<hbm>>
      %dma_start3A_32 = tpu.memref_slice %arg3[%add3A_19] : memref<163840xf32, #tpu.memory_space<hbm>> -> memref<1024xf32, #tpu.memory_space<hbm>>
      tpu.enqueue_dma source(%arg10 : memref<1024xf32, #tpu.memory_space<vmem>>) target(%dma_start3A_32 : memref<1024xf32, #tpu.memory_space<hbm>>) target_semaphore(%run_scoped3A : memref<!tpu.dma_semaphore, #tpu.memory_space<semaphore_mem>>)
      %dma_wait3A = tpu.memref_slice %arg3[%add3A_19] : memref<163840xf32, #tpu.memory_space<hbm>> -> memref<1024xf32, #tpu.memory_space<hbm>>
      %dma_wait3A_33 = tpu.memref_slice %arg3[%add3A_19] : memref<163840xf32, #tpu.memory_space<hbm>> -> memref<1024xf32, #tpu.memory_space<hbm>>
      tpu.wait_dma2 semaphore(%run_scoped3A : memref<!tpu.dma_semaphore, #tpu.memory_space<semaphore_mem>>) src(%arg10 : memref<1024xf32, #tpu.memory_space<vmem>>) dst(%dma_wait3A_33 : memref<1024xf32, #tpu.memory_space<hbm>>)
      tpu.yield
    }) : () -> ()
    %add3A_20 = arith.constant 32768 : i32
    %add3A_21 = arith.addi %add3A_20, %mul3A_2 : i32
    "tpu.region"() ({
      %run_scoped3A = tpu.sem_alloc : memref<!tpu.dma_semaphore, #tpu.memory_space<semaphore_mem>>
      %dma_start3A = tpu.memref_slice %arg3[%add3A_21] : memref<163840xf32, #tpu.memory_space<hbm>> -> memref<1024xf32, #tpu.memory_space<hbm>>
      %dma_start3A_32 = tpu.memref_slice %arg3[%add3A_21] : memref<163840xf32, #tpu.memory_space<hbm>> -> memref<1024xf32, #tpu.memory_space<hbm>>
      tpu.enqueue_dma source(%arg11 : memref<1024xf32, #tpu.memory_space<vmem>>) target(%dma_start3A_32 : memref<1024xf32, #tpu.memory_space<hbm>>) target_semaphore(%run_scoped3A : memref<!tpu.dma_semaphore, #tpu.memory_space<semaphore_mem>>)
      %dma_wait3A = tpu.memref_slice %arg3[%add3A_21] : memref<163840xf32, #tpu.memory_space<hbm>> -> memref<1024xf32, #tpu.memory_space<hbm>>
      %dma_wait3A_33 = tpu.memref_slice %arg3[%add3A_21] : memref<163840xf32, #tpu.memory_space<hbm>> -> memref<1024xf32, #tpu.memory_space<hbm>>
      tpu.wait_dma2 semaphore(%run_scoped3A : memref<!tpu.dma_semaphore, #tpu.memory_space<semaphore_mem>>) src(%arg11 : memref<1024xf32, #tpu.memory_space<vmem>>) dst(%dma_wait3A_33 : memref<1024xf32, #tpu.memory_space<hbm>>)
      tpu.yield
    }) : () -> ()
    %add3A_22 = arith.constant 65536 : i32
    %add3A_23 = arith.addi %add3A_22, %mul3A_2 : i32
    "tpu.region"() ({
      %run_scoped3A = tpu.sem_alloc : memref<!tpu.dma_semaphore, #tpu.memory_space<semaphore_mem>>
      %dma_start3A = tpu.memref_slice %arg3[%add3A_23] : memref<163840xf32, #tpu.memory_space<hbm>> -> memref<1024xf32, #tpu.memory_space<hbm>>
      %dma_start3A_32 = tpu.memref_slice %arg3[%add3A_23] : memref<163840xf32, #tpu.memory_space<hbm>> -> memref<1024xf32, #tpu.memory_space<hbm>>
      tpu.enqueue_dma source(%arg12 : memref<1024xf32, #tpu.memory_space<vmem>>) target(%dma_start3A_32 : memref<1024xf32, #tpu.memory_space<hbm>>) target_semaphore(%run_scoped3A : memref<!tpu.dma_semaphore, #tpu.memory_space<semaphore_mem>>)
      %dma_wait3A = tpu.memref_slice %arg3[%add3A_23] : memref<163840xf32, #tpu.memory_space<hbm>> -> memref<1024xf32, #tpu.memory_space<hbm>>
      %dma_wait3A_33 = tpu.memref_slice %arg3[%add3A_23] : memref<163840xf32, #tpu.memory_space<hbm>> -> memref<1024xf32, #tpu.memory_space<hbm>>
      tpu.wait_dma2 semaphore(%run_scoped3A : memref<!tpu.dma_semaphore, #tpu.memory_space<semaphore_mem>>) src(%arg12 : memref<1024xf32, #tpu.memory_space<vmem>>) dst(%dma_wait3A_33 : memref<1024xf32, #tpu.memory_space<hbm>>)
      tpu.yield
    }) : () -> ()
    %add3A_24 = arith.constant 98304 : i32
    %add3A_25 = arith.addi %add3A_24, %mul3A_2 : i32
    "tpu.region"() ({
      %run_scoped3A = tpu.sem_alloc : memref<!tpu.dma_semaphore, #tpu.memory_space<semaphore_mem>>
      %dma_start3A = tpu.memref_slice %arg3[%add3A_25] : memref<163840xf32, #tpu.memory_space<hbm>> -> memref<1024xf32, #tpu.memory_space<hbm>>
      %dma_start3A_32 = tpu.memref_slice %arg3[%add3A_25] : memref<163840xf32, #tpu.memory_space<hbm>> -> memref<1024xf32, #tpu.memory_space<hbm>>
      tpu.enqueue_dma source(%arg13 : memref<1024xf32, #tpu.memory_space<vmem>>) target(%dma_start3A_32 : memref<1024xf32, #tpu.memory_space<hbm>>) target_semaphore(%run_scoped3A : memref<!tpu.dma_semaphore, #tpu.memory_space<semaphore_mem>>)
      %dma_wait3A = tpu.memref_slice %arg3[%add3A_25] : memref<163840xf32, #tpu.memory_space<hbm>> -> memref<1024xf32, #tpu.memory_space<hbm>>
      %dma_wait3A_33 = tpu.memref_slice %arg3[%add3A_25] : memref<163840xf32, #tpu.memory_space<hbm>> -> memref<1024xf32, #tpu.memory_space<hbm>>
      tpu.wait_dma2 semaphore(%run_scoped3A : memref<!tpu.dma_semaphore, #tpu.memory_space<semaphore_mem>>) src(%arg13 : memref<1024xf32, #tpu.memory_space<vmem>>) dst(%dma_wait3A_33 : memref<1024xf32, #tpu.memory_space<hbm>>)
      tpu.yield
    }) : () -> ()
    %add3A_26 = arith.constant 131072 : i32
    %add3A_27 = arith.addi %add3A_26, %mul3A_2 : i32
    "tpu.region"() ({
      %run_scoped3A = tpu.sem_alloc : memref<!tpu.dma_semaphore, #tpu.memory_space<semaphore_mem>>
      %dma_start3A = tpu.memref_slice %arg3[%add3A_27] : memref<163840xf32, #tpu.memory_space<hbm>> -> memref<1024xf32, #tpu.memory_space<hbm>>
      %dma_start3A_32 = tpu.memref_slice %arg3[%add3A_27] : memref<163840xf32, #tpu.memory_space<hbm>> -> memref<1024xf32, #tpu.memory_space<hbm>>
      tpu.enqueue_dma source(%arg14 : memref<1024xf32, #tpu.memory_space<vmem>>) target(%dma_start3A_32 : memref<1024xf32, #tpu.memory_space<hbm>>) target_semaphore(%run_scoped3A : memref<!tpu.dma_semaphore, #tpu.memory_space<semaphore_mem>>)
      %dma_wait3A = tpu.memref_slice %arg3[%add3A_27] : memref<163840xf32, #tpu.memory_space<hbm>> -> memref<1024xf32, #tpu.memory_space<hbm>>
      %dma_wait3A_33 = tpu.memref_slice %arg3[%add3A_27] : memref<163840xf32, #tpu.memory_space<hbm>> -> memref<1024xf32, #tpu.memory_space<hbm>>
      tpu.wait_dma2 semaphore(%run_scoped3A : memref<!tpu.dma_semaphore, #tpu.memory_space<semaphore_mem>>) src(%arg14 : memref<1024xf32, #tpu.memory_space<vmem>>) dst(%dma_wait3A_33 : memref<1024xf32, #tpu.memory_space<hbm>>)
      tpu.yield
    }) : () -> ()
    %add3A_28 = arith.constant 0 : i32
    %add3A_29 = arith.addi %add3A_28, %mul3A_2 : i32
    "tpu.region"() ({
      %run_scoped3A = tpu.sem_alloc : memref<!tpu.dma_semaphore, #tpu.memory_space<semaphore_mem>>
      %dma_start3A = tpu.memref_slice %arg4[%add3A_29] : memref<65536xi32, #tpu.memory_space<hbm>> -> memref<1024xi32, #tpu.memory_space<hbm>>
      %dma_start3A_32 = tpu.memref_slice %arg4[%add3A_29] : memref<65536xi32, #tpu.memory_space<hbm>> -> memref<1024xi32, #tpu.memory_space<hbm>>
      tpu.enqueue_dma source(%arg15 : memref<1024xi32, #tpu.memory_space<vmem>>) target(%dma_start3A_32 : memref<1024xi32, #tpu.memory_space<hbm>>) target_semaphore(%run_scoped3A : memref<!tpu.dma_semaphore, #tpu.memory_space<semaphore_mem>>)
      %dma_wait3A = tpu.memref_slice %arg4[%add3A_29] : memref<65536xi32, #tpu.memory_space<hbm>> -> memref<1024xi32, #tpu.memory_space<hbm>>
      %dma_wait3A_33 = tpu.memref_slice %arg4[%add3A_29] : memref<65536xi32, #tpu.memory_space<hbm>> -> memref<1024xi32, #tpu.memory_space<hbm>>
      tpu.wait_dma2 semaphore(%run_scoped3A : memref<!tpu.dma_semaphore, #tpu.memory_space<semaphore_mem>>) src(%arg15 : memref<1024xi32, #tpu.memory_space<vmem>>) dst(%dma_wait3A_33 : memref<1024xi32, #tpu.memory_space<hbm>>)
      tpu.yield
    }) : () -> ()
    %add3A_30 = arith.constant 32768 : i32
    %add3A_31 = arith.addi %add3A_30, %mul3A_2 : i32
    "tpu.region"() ({
      %run_scoped3A = tpu.sem_alloc : memref<!tpu.dma_semaphore, #tpu.memory_space<semaphore_mem>>
      %dma_start3A = tpu.memref_slice %arg4[%add3A_31] : memref<65536xi32, #tpu.memory_space<hbm>> -> memref<1024xi32, #tpu.memory_space<hbm>>
      %dma_start3A_32 = tpu.memref_slice %arg4[%add3A_31] : memref<65536xi32, #tpu.memory_space<hbm>> -> memref<1024xi32, #tpu.memory_space<hbm>>
      tpu.enqueue_dma source(%arg16 : memref<1024xi32, #tpu.memory_space<vmem>>) target(%dma_start3A_32 : memref<1024xi32, #tpu.memory_space<hbm>>) target_semaphore(%run_scoped3A : memref<!tpu.dma_semaphore, #tpu.memory_space<semaphore_mem>>)
      %dma_wait3A = tpu.memref_slice %arg4[%add3A_31] : memref<65536xi32, #tpu.memory_space<hbm>> -> memref<1024xi32, #tpu.memory_space<hbm>>
      %dma_wait3A_33 = tpu.memref_slice %arg4[%add3A_31] : memref<65536xi32, #tpu.memory_space<hbm>> -> memref<1024xi32, #tpu.memory_space<hbm>>
      tpu.wait_dma2 semaphore(%run_scoped3A : memref<!tpu.dma_semaphore, #tpu.memory_space<semaphore_mem>>) src(%arg16 : memref<1024xi32, #tpu.memory_space<vmem>>) dst(%dma_wait3A_33 : memref<1024xi32, #tpu.memory_space<hbm>>)
      tpu.yield
    }) : () -> ()
    return
  }
}

module attributes {stable_mosaic.version = 14 : i64} {
  func.func @_mlp_kernel(%arg0: i32, %arg1: memref<8192x256xf32, #tpu.memory_space<vmem>>, %arg2: memref<256x256xf32, #tpu.memory_space<vmem>>, %arg3: memref<8x256xf32, #tpu.memory_space<vmem>>, %arg4: memref<8x1xf32, #tpu.memory_space<vmem>>, %arg5: memref<8x8192xf32, #tpu.memory_space<vmem>>) attributes {dimension_semantics = [#tpu.dimension_semantics<arbitrary>], iteration_bounds = array<i64: 4>, scalar_prefetch = 0 : i64, scratch_operands = 0 : i64, tpu.core_type = #tpu.core_type<tc>, window_params = [{transform_indices = @transform_0, window_bounds = array<i64: 8192, 256>}, {pipeline_mode = #tpu.pipeline_mode<synchronous>, transform_indices = @transform_1, window_bounds = array<i64: 256, 256>}, {pipeline_mode = #tpu.pipeline_mode<synchronous>, transform_indices = @transform_2, window_bounds = array<i64: 8, 256>}, {pipeline_mode = #tpu.pipeline_mode<synchronous>, transform_indices = @transform_3, window_bounds = array<i64: 8, 1>}, {transform_indices = @transform_4, window_bounds = array<i64: 8, 8192>}]} {
    %get3A = arith.constant 0 : index
    %get3A_0 = arith.constant 0 : index
    %get3A_1 = vector.load %arg1[%get3A, %get3A_0] : memref<8192x256xf32, #tpu.memory_space<vmem>>, vector<8192x256xf32>
    %get3A_2 = arith.constant 0 : index
    %get3A_3 = arith.constant 0 : index
    %get3A_4 = vector.load %arg2[%get3A_2, %get3A_3] : memref<256x256xf32, #tpu.memory_space<vmem>>, vector<256x256xf32>
    %dot_general3A = arith.constant dense<0.000000e+00> : vector<8192x256xf32>
    %dot_general3A_5 = tpu.matmul %get3A_1, %get3A_4, %dot_general3A {dimension_numbers = #tpu.dot_dimension_numbers<[1], [0], [0], [1], [0, 0, 1, 1], [], []>, transpose_lhs_hint = false} : vector<8192x256xf32>, vector<256x256xf32>, vector<8192x256xf32> -> vector<8192x256xf32>
    %max3A = arith.constant 0.000000e+00 : f32
    %max3A_6 = vector.broadcast %max3A : f32 to vector<8192x256xf32>
    %max3A_7 = arith.maximumf %dot_general3A_5, %max3A_6 : vector<8192x256xf32>
    %get3A_8 = arith.constant 0 : index
    %get3A_9 = arith.constant 0 : index
    %get3A_10 = vector.load %arg3[%get3A_8, %get3A_9] : memref<8x256xf32, #tpu.memory_space<vmem>>, vector<8x256xf32>
    %dot_general3A_11 = arith.constant dense<0.000000e+00> : vector<8x8192xf32>
    %dot_general3A_12 = tpu.matmul %get3A_10, %max3A_7, %dot_general3A_11 {dimension_numbers = #tpu.dot_dimension_numbers<[1], [1], [0], [0], [0, 0, 1, 0], [], []>, transpose_lhs_hint = false} : vector<8x256xf32>, vector<8192x256xf32>, vector<8x8192xf32> -> vector<8x8192xf32>
    %get3A_13 = arith.constant 0 : index
    %get3A_14 = arith.constant 0 : index
    %get3A_15 = vector.load %arg4[%get3A_13, %get3A_14] : memref<8x1xf32, #tpu.memory_space<vmem>>, vector<8x1xf32>
    %add3A = vector.broadcast %get3A_15 : vector<8x1xf32> to vector<8x8192xf32>
    %add3A_16 = arith.addf %dot_general3A_12, %add3A : vector<8x8192xf32>
    %swap3A = arith.constant 0 : index
    %swap3A_17 = arith.constant 0 : index
    %swap3A_18 = vector.load %arg5[%swap3A, %swap3A_17] : memref<8x8192xf32, #tpu.memory_space<vmem>>, vector<8x8192xf32>
    tpu.vector_store %arg5[%swap3A, %swap3A_17], %add3A_16 {strides = array<i32>} : memref<8x8192xf32, #tpu.memory_space<vmem>>, vector<8x8192xf32>,
    return
  }
  func.func @transform_0(%arg0: i32) -> (i32, i32) {
    %c0_i32 = arith.constant 0 : i32
    %c0_i32_0 = arith.constant 0 : i32
    return %arg0, %c0_i32 : i32, i32
  }
  func.func @transform_1(%arg0: i32) -> (i32, i32) {
    %c0_i32 = arith.constant 0 : i32
    %c0_i32_0 = arith.constant 0 : i32
    %c0_i32_1 = arith.constant 0 : i32
    return %c0_i32, %c0_i32_0 : i32, i32
  }
  func.func @transform_2(%arg0: i32) -> (i32, i32) {
    %c0_i32 = arith.constant 0 : i32
    %c0_i32_0 = arith.constant 0 : i32
    %c0_i32_1 = arith.constant 0 : i32
    return %c0_i32, %c0_i32_0 : i32, i32
  }
  func.func @transform_3(%arg0: i32) -> (i32, i32) {
    %c0_i32 = arith.constant 0 : i32
    %c0_i32_0 = arith.constant 0 : i32
    %c0_i32_1 = arith.constant 0 : i32
    return %c0_i32, %c0_i32_0 : i32, i32
  }
  func.func @transform_4(%arg0: i32) -> (i32, i32) {
    %c0_i32 = arith.constant 0 : i32
    %c0_i32_0 = arith.constant 0 : i32
    return %c0_i32, %arg0 : i32, i32
  }
}

</mosaic_0001>

<sc_bundles>
// kernel: kernel.4.cloned.1.call-start
scs
__scs_entry_jumppad:
0x0: {  	(pc) =	sbr.rel $0x88, $3  }
0x1: {  	(tag) =	ssettag $0x0;
	lr =	simm.s32 $0x1  }
0x2: {  	[smem:$0x3F9E] =	sst lr;
	_ =	strace $0xD0000000  }
0x3: {  	_ = 	snop  }
0x4: {  	_ = 	snop  }
0x5: {  	_ = 	snop  }
0x6: {  	_ = 	snop  }
0x7: {  	_ = 	snop  }
__scs_overlays_trampoline_lowered:
0x8: {  	[smem:$0x3FAD] =	sst s0  }
0x9: {  	[smem:$0x3FAE] =	sst s1  }
0xa: {  	[smem:$0x3FAF] =	sst s2  }
0xb: {  	[smem:$0x3FB0] =	sst s3  }
0xc: {  	[smem:$0x3FB1] =	sst s4  }
0xd: {  	[smem:$0x3FB2] =	sst s5  }
0xe: {  	[smem:$0x3FB3] =	sst s6  }
0xf: {  	[smem:$0x3FB4] =	sst s7  }
0x10: {  	[smem:$0x3FB5] =	sst s8  }
0x11: {  	[smem:$0x3FB6] =	sst s9;
	s0 =	simm.s32 @!p0 $0x0  }
0x12: {  	s1 =	sld [smem:$0x3F9C];
	s0 =	simm.s32 @p0 $0x1  }
0x13: {  	[smem:$0x3FB7] =	sst s0;
	s0 =	simm.s32 @!p1 $0x0  }
0x14: {  	s2 =	sld [smem:$0x3F9B];
	s0 =	simm.s32 @p1 $0x1  }
0x15: {  	[smem:$0x3FB8] =	sst s0;
	s0 =	simm.s32 @!p2 $0x0  }
0x16: {  	s3 =	sld [smem:$0x3FDB];
	s0 =	simm.s32 @p2 $0x1  }
0x17: {  	s4 =	simm.s32 $0x1BF5;
	[smem:$0x3FBA] =	sst s0  }
0x18: {  	s0 =	sld [smem:$0x3F9D];
	_ =	swait.ge [sflag:s4], $0x0  }
0x19: {  	s7 =	sld [smem:$0x3F9E]  }
0x1a: {  	s8 =	sadd.s32 $0xFFFFE003, lr  }
0x1b: {  	s9 =	sadd.s32 $0xFFFFFEF7, lr;
	s5 =	simm.s32 $0xFFFFFFFF;
	p2 =	slt.u32 s8, $0xFFFFF086  }
0x1c: {  	p1 =	slt.u32 s9, $0xF7A;
	s5 =	simm.s32 @!p2 $0x0  }
0x1d: {  	s5 =	simm.s32 @p1 $0x1;
	p0 =	seq.s32 s7, s2  }
0x1e: {  	s7 =	smul.u32 @!p0 $0xF7A, s2;
	p2 =	seq.s32 @!p0 s5, $0x0  }
0x1f: {  	s9 =	smul.u32 $0xF7A, s1;
	s8 =	simm.s32 @!p0 $0x1BF5;
	p2 =	por !p2, p0  }
0x20: {  	[sflag:s8] =	ssyncset.s32 @!p0 $0xFFFFF086;
	s6 =	sadd.s32 @!p0 s3, s7;
	s7 =	simm.s32 @!p0 $0x108  }
0x21: {  	s3 =	sadd.s32 s3, s9;
	s6 =	sadd.s32 @!p0 $0x88, s6;
	s7 =	simm.s32 @p2 $0x1082  }
0x22: {  	[simem:s7], [sflag:s8] =	dma.local @!p0 [hbm:s6], $0xF7A  }
0x23: {  	s9 =	sor.u32 $0xD0000000, s2;
	s6 =	simm.s32 $0x108;
	_ =	swait.ge @!p0 [sflag:s8], $0x0  }
0x24: {  	s3 =	sadd.s32 $0x88, s3;
	s6 =	simm.s32 @!p1 $0x1082;
	[sflag:s4] =	ssyncset.s32 $0xFFFFF086  }
0x25: {  	[simem:s6], [sflag:s4] =	dma.local [hbm:s3], $0xF7A  }
0x26: {  	[smem:$0x3F9E] =	sst s1;
	(tag) =	ssettag s2;
	_ =	strace s9  }
0x27: {  	s1 =	sld [smem:$0x3FAE]  }
0x28: {  	s2 =	sld [smem:$0x3FAF]  }
0x29: {  	s4 =	sld [smem:$0x3FB1]  }
0x2a: {  	p0 =	seq.s32 s5, $0x0;
	s5 =	sld [smem:$0x3FB2]  }
0x2b: {  	s6 =	sld [smem:$0x3FB3]  }
0x2c: {  	s7 =	sld [smem:$0x3FB4]  }
0x2d: {  	s3 =	simm.s32 $0x108;
	s8 =	sld [smem:$0x3FB5]  }
0x2e: {  	s3 =	simm.s32 @!p0 $0x1082;
	s9 =	sld [smem:$0x3FB6]  }
0x2f: {  	lr =	sadd.s32 s0, s3;
	s0 =	sld [smem:$0x3FAD]  }
0x30: {  	s3 =	sld [smem:$0x3FB0]  }
0x31: {  	[smem:$0x3FB9] =	sst s10  }
0x32: {  	s10 =	sld [smem:$0x3FB7];
	_ =	sdelay $0x3  }
0x33: {  	p0 =	seq.s32 s10, $0x1;
	s10 =	sld [smem:$0x3FB9];
	_ =	sdelay $0x3  }
0x34: {  	[smem:$0x3FB9] =	sst s10  }
0x35: {  	s10 =	sld [smem:$0x3FB8];
	_ =	sdelay $0x3  }
0x36: {  	p1 =	seq.s32 s10, $0x1;
	s10 =	sld [smem:$0x3FB9];
	_ =	sdelay $0x3  }
0x37: {  	[smem:$0x3FB9] =	sst s10  }
0x38: {  	s10 =	sld [smem:$0x3FBA]  }
0x39: {  	_ = 	snop;
	(pc) =	sbr.ind lr, $3  }
0x3a: {  	_ = 	snop  }
0x3b: {  	_ = 	snop  }
0x3c: {  	p2 =	seq.s32 s10, $0x1;
	s10 =	sld [smem:$0x3FB9]  }
0x3d: {  	_ =	shalt  }
0x3e: {  	_ =	shalt  }
0x3f: {  	_ =	shalt  }
0x40: {  	_ =	shalt  }
0x41: {  	_ =	shalt  }
0x42: {  	_ =	shalt  }
0x43: {  	_ =	shalt  }
0x44: {  	_ =	shalt  }
0x45: {  	_ =	shalt  }
0x46: {  	_ =	shalt  }
0x47: {  	_ =	shalt  }
0x48: {  	_ =	shalt  }
0x49: {  	_ =	shalt  }
0x4a: {  	_ =	shalt  }
0x4b: {  	_ =	shalt  }
0x4c: {  	_ =	shalt  }
0x4d: {  	_ =	shalt  }
0x4e: {  	_ =	shalt  }
0x4f: {  	_ =	shalt  }
0x50: {  	_ =	shalt  }
0x51: {  	_ =	shalt  }
0x52: {  	_ =	shalt  }
0x53: {  	_ =	shalt  }
0x54: {  	_ =	shalt  }
0x55: {  	_ =	shalt  }
0x56: {  	_ =	shalt  }
0x57: {  	_ =	shalt  }
0x58: {  	_ =	shalt  }
0x59: {  	_ =	shalt  }
0x5a: {  	_ =	shalt  }
0x5b: {  	_ =	shalt  }
0x5c: {  	_ =	shalt  }
0x5d: {  	_ =	shalt  }
0x5e: {  	_ =	shalt  }
0x5f: {  	_ =	shalt  }
0x60: {  	_ =	shalt  }
0x61: {  	_ =	shalt  }
0x62: {  	_ =	shalt  }
0x63: {  	_ =	shalt  }
0x64: {  	_ =	shalt  }
0x65: {  	_ =	shalt  }
0x66: {  	_ =	shalt  }
0x67: {  	_ =	shalt  }
0x68: {  	_ =	shalt  }
0x69: {  	_ =	shalt  }
0x6a: {  	_ =	shalt  }
0x6b: {  	_ =	shalt  }
0x6c: {  	_ =	shalt  }
0x6d: {  	_ =	shalt  }
0x6e: {  	_ =	shalt  }
0x6f: {  	_ =	shalt  }
0x70: {  	_ =	shalt  }
0x71: {  	_ =	shalt  }
0x72: {  	_ =	shalt  }
0x73: {  	_ =	shalt  }
0x74: {  	_ =	shalt  }
0x75: {  	_ =	shalt  }
0x76: {  	_ =	shalt  }
0x77: {  	_ =	shalt  }
0x78: {  	_ =	shalt  }
0x79: {  	_ =	shalt  }
0x7a: {  	_ =	shalt  }
0x7b: {  	_ =	shalt  }
0x7c: {  	_ =	shalt  }
0x7d: {  	_ =	shalt  }
0x7e: {  	_ =	shalt  }
0x7f: {  	_ =	shalt  }
0x80: {  	_ =	shalt  }
0x81: {  	_ =	shalt  }
0x82: {  	_ =	shalt  }
0x83: {  	_ =	shalt  }
0x84: {  	_ =	shalt  }
0x85: {  	_ =	shalt  }
0x86: {  	_ =	shalt  }
0x87: {  	_ =	shalt  }
.Lfunc_end0:
.L_simem_size_0:
called_computation_lowered:
.L_overlay_start_0:
0x88: {  	s2 =	sld [smem:$0x3FD9]  }
0x89: {  	s3 =	sld [smem:$0x3FFE];
	_ =	sdelay $0x1  }
0x8a: {  	s1 =	srdreg.scid  }
0x8b: {  	s0 =	sand.u32 $0x1, s1  }
0x8c: {  	s14 =	sshll.u32 s0, $0xA;
	s2 =	sadd.s32 s3, s2  }
0x8d: {  	s2 =	sadd.s32 s2, s14  }
0x8e: {  	[smem:$0x3FC5] =	sst s2  }
0x8f: {  	_ = 	snop  }
0x90: {  	s2 =	sld [smem:$0x3FD0];
	_ =	sdelay $0x2  }
0x91: {  	s15 =	simm.s32 $0xA;
	s4 =	simm.s32 $0x10  }
0x92: {  	[smem:s4], [sflag:s15] =	dma.local [hbm:s2], $0x1  }
0x93: {  	_ =	swait.eq [sflag:s15], $0x1  }
0x94: {  	[sflag:s15] =	ssyncset.done $0x0  }
0x95: {  	[sflag:s15] =	ssyncadd.s32 $0xFFFFFFFF  }
0x96: {  	s16 =	sld [smem:$0x10];
	(tm) =	ssettm $0x1  }
0x97: {  	s17 =	sld [smem:$0x3FFB];
	_ =	sdelay $0x3  }
0x98: {  	_ =	strace s17  }
0x99: {  	s3 =	sld [smem:$0x3FFC];
	_ =	sdelay $0x3  }
0x9a: {  	_ =	strace s3  }
0x9b: {  	s3 =	sld [smem:$0x3FFD];
	_ =	sdelay $0x3  }
0x9c: {  	_ =	strace s3  }
0x9d: {  	_ =	strace $0x8FFFFFFF  }
0x9e: {  	s18 =	sld [smem:$0x3FDB];
	_ =	sdelay $0x1  }
0x9f: {  	s19 =	simm.s32 $_scs_section_size  }
0xa0: {  	s5 =	simm.s32 $_size__tile_overlayer_lowered;
	s6 =	simm.s32 $_tile_overlayer_lowered  }
0xa1: {  	s22 =	simm.s32 $0x1BFF;
	s21 =	sshll.u32 s6, $0x1;
	s3 =	sadd.s32 s19, s18  }
0xa2: {  	s7 =	simm.s32 $0x0;
	s20 =	sshll.u32 s5, $0x1;
	s5 =	sadd.s32 s21, s3  }
0xa3: {  	[timem:s7], [sflag:s22] =	dma.local [hbm:s5], s20  }
0xa4: {  	_ =	swait.ge [sflag:s22], s20  }
0xa5: {  	s4 =	ssub.s32 $0x0, s20;
	[sflag:s22] =	ssyncset.done $0x0  }
0xa6: {  	[sflag:s22] =	ssyncadd.s32 s4;
	_ =	sdelay $0x1  }
0xa7: {  	s23 =	simm.s32 $0x1B8B  }
0xa8: {  	_ =	swait.ge [sflag:s23], $0x1  }
0xa9: {  	[sflag:s23] =	ssyncset.done $0x0  }
0xaa: {  	s25 =	simm.s32 $0x1B8E;
	s24 =	sld [smem:$0x3FFE];
	[sflag:s23] =	ssyncadd.s32 $0xFFFFFFFF  }
0xab: {  	s26 =	simm.s32 $execute0_lowered;
	[smem:$0x3FD2] =	sst s25  }
0xac: {  	s5 =	sshll.u32 s26, $0x1;
	_ =	strace $0x80000046;
	[dreg:$0x1] =	wrdreg $0xFFFFFFFF  }
0xad: {  	s28 =	simm.s32 $_size_execute0_lowered;
	s3 =	sadd.s32 s3, s5;
	[dreg:$0x0] =	wrdreg $0x0  }
0xae: {  	s5 =	sshll.u32 s28, $0x1;
	[dreg:$0x2] =	wrdreg s3  }
0xaf: {  	[dreg:$0x3] =	wrdreg s5  }
0xb0: {  	[dreg:$0x4] =	wrdreg $0xC0  }
0xb1: {  	_ =	task [dreg:s7], $0x5FFFF  }
0xb2: {  	[dreg:$0x1] =	wrdreg $0xFFFFFFFF  }
0xb3: {  	[dreg:$0x0] =	wrdreg $0x60  }
0xb4: {  	[dreg:$0x2] =	wrdreg s16  }
0xb5: {  	[dreg:$0x3] =	wrdreg s24  }
0xb6: {  	[dreg:$0x4] =	wrdreg $0x9  }
0xb7: {  	_ =	task.clear_ibuf [dreg:s7], $0x5FFFF;
	_ =	strace $0x90000046  }
0xb8: {  	s29 =	simm.s32 $0x9;
	_ =	strace $0x80000048  }
0xb9: {  	_ =	swait.ge [sflag:s29], $0x1  }
0xba: {  	[sflag:s29] =	ssyncadd.s32 $0xFFFFFFFF  }
0xbb: {  	_ =	strace $0x90000048  }
0xbc: {  	_ =	sfence  }
0xbd: {  	s30 =	sld [smem:$0x0];
	_ =	sdelay $0x2  }
0xbe: {  	s31 =	sshll.u32 s1, $0xD;
	s1 =	sshrl.u32 s1, $0x2  }
0xbf: {  	s3 =	sand.u32 $0x4000, s31;
	s1 =	sadd.s32 s1, s30  }
0xc0: {  	s0 =	sor.u32 s3, s0;
	s1 =	sshll.u32 s1, $0x11  }
0xc1: {  	s0 =	sor.u32 s1, s0  }
0xc2: {  	s0 =	sadd.s32 $0x8F2B, s0  }
0xc3: {  	[sflag:s0] =	ssyncadd.remote.s32 $0x1  }
0xc4: {  	_ =	sfence.sel $0xFFFF  }
0xc5: {  	[dreg:$0x0] =	wrdreg $0xFFFFFFFF;
	(pc) =	sbr.abs _section_cstart, $3  }
0xc6: {  	[dreg:$0x1] =	wrdreg $0xFFFFFFFF  }
0xc7: {  	_ =	task.clear_ibuf [dreg:s7], $0x2FFFF;
	_ =	strace $0x9FFFFFFF  }
0xc8: {  	(tm) =	ssettm $0x7FFFFFFF  }
0xc9: {  	_ =	shalt  }
tec
execute0_lowered:
.L_overlay_start_1:
0x0: {  	(tag) =	ssettag $0x1  }
0x1: {  	s0 =	rddreg [dreg:$0x0]  }
0x2: {  	s1 =	rddreg [dreg:$0x1];
	s2 =	simm.s32 $0x0;
	s3 =	srdreg.scid  }
0x3: {  	s4 =	stileid.u32;
	s17 =	simm.s32 $0x400;
	s18 =	simm.s32 $0x800  }
0x4: {  	s19 =	simm.s32 $0xC00;
	s20 =	simm.s32 $0x1000;
	s21 =	simm.s32 $0x1400  }
0x5: {  	s22 =	simm.s32 $0x1800;
	s23 =	simm.s32 $0x1C00;
	s24 =	simm.s32 $0x2000  }
0x6: {  	s25 =	simm.s32 $0x2400;
	s26 =	simm.s32 $0x2800;
	s28 =	simm.s32 $0x2C00  }
0x7: {  	s29 =	simm.s32 $0x0;
	[smem:$0x7FF] =	sst s2;
	s3 =	sand.u32 $0x1, s3  }
0x8: {  	s4 =	sshll.u32 s4, $0x8;
	s12 =	sadd.s32 $0x2A00, s1;
	s5 =	sshll.u32 s3, $0x7  }
0x9: {  	s1 =	sadd.s32 $0xA00, s1;
	s3 =	ssub.s32 $0x2, s3;
	s13 =	sor.u32 s5, s4  }
0xa: {  	_ =	strace $0x80000047;
	s31 =	sshrl.u32 s3, $0x1;
	s14 =	sor.u32 $0x1000, s13  }
0xb: {  	s15 =	ssub.s32 s3, s31;
	s3 =	sadd.s32 s0, s13;
	s10 =	sor.u32 $0x2000, s13  }
0xc: {  	s11 =	sor.u32 $0x3000, s13;
	s16 =	sor.u32 $0x4000, s13;
	s8 =	sadd.s32 s12, s13  }
0xd: {  	s13 =	sadd.s32 s1, s13;
	s4 =	sadd.s32 s0, s14;
	s5 =	sadd.s32 s0, s10  }
0xe: {  	s6 =	sadd.s32 s0, s11;
	s7 =	sadd.s32 s0, s16;
	s9 =	sadd.s32 s12, s14  }
0xf: {  	s10 =	sadd.s32 s12, s10;
	s11 =	sadd.s32 s12, s11;
	s12 =	sadd.s32 s12, s16  }
0x10: {  	v0 =	vimm.s32 $0x0;
	s14 =	sadd.s32 s1, s14;
	s15 =	smax.u32 s15, $0x1;
	s16 =	simm.s32 $0x1  }
.LBB2_1:
0x11: {  	[tilespmem:s2], [sflag:$0x1] =	stream.linear.gather [hbm4b:s3+s2], $0x400, $0x38;
	[tilespmem:$0x3000] =	vst v63  }
0x12: {  	_ =	swait.ge [sflag:s16], $0x400  }
0x13: {  	[sflag:s16] =	ssyncset.done $0x0  }
0x14: {  	[sflag:s16] =	ssyncadd.s32 $0xFFFFFC00  }
0x15: {  	[tilespmem:s17], [sflag:$0x1] =	stream.linear.gather [hbm4b:s4+s2], $0x400, $0x38;
	[tilespmem:$0x3000] =	vst v63  }
0x16: {  	_ =	swait.ge [sflag:s16], $0x400  }
0x17: {  	[sflag:s16] =	ssyncset.done $0x0  }
0x18: {  	[sflag:s16] =	ssyncadd.s32 $0xFFFFFC00  }
0x19: {  	[tilespmem:s18], [sflag:$0x1] =	stream.linear.gather [hbm4b:s5+s2], $0x400, $0x38;
	[tilespmem:$0x3000] =	vst v63  }
0x1a: {  	_ =	swait.ge [sflag:s16], $0x400  }
0x1b: {  	[sflag:s16] =	ssyncset.done $0x0  }
0x1c: {  	[sflag:s16] =	ssyncadd.s32 $0xFFFFFC00  }
0x1d: {  	[tilespmem:s19], [sflag:$0x1] =	stream.linear.gather [hbm4b:s6+s2], $0x400, $0x38;
	[tilespmem:$0x3000] =	vst v63  }
0x1e: {  	_ =	swait.ge [sflag:s16], $0x400  }
0x1f: {  	[sflag:s16] =	ssyncset.done $0x0  }
0x20: {  	[sflag:s16] =	ssyncadd.s32 $0xFFFFFC00  }
0x21: {  	[tilespmem:s20], [sflag:$0x1] =	stream.linear.gather [hbm4b:s7+s2], $0x400, $0x38;
	[tilespmem:$0x3000] =	vst v63  }
0x22: {  	_ =	swait.ge [sflag:s16], $0x400  }
0x23: {  	[sflag:s16] =	ssyncset.done $0x0  }
0x24: {  	s30 =	simm.s32 $0x0;
	[sflag:s16] =	ssyncadd.s32 $0xFFFFFC00  }
0x25: {  	v1 =	vld [tilespmem:s30+$0x0]  }
0x26: {  	v2 =	vld [tilespmem:s30+$0x400];
	_ =	sdelay $0x1  }
0x27: {  	v3 =	vld [tilespmem:s30+$0x800];
	_ =	sdelay $0x1  }
0x28: {  	v4 =	vld [tilespmem:s30+$0xC00]  }
0x29: {  	vm0 =	vgt.f32 v2, v1  }
0x2a: {  	v5 =	vld [tilespmem:s30+$0x1000];
	v6 =	vsel vm0, v2, v1  }
0x2b: {  	vm1 =	vgt.f32 v3, v6  }
0x2c: {  	v6 =	vsel vm1, v3, v6  }
0x2d: {  	vm2 =	vgt.f32 v4, v6  }
0x2e: {  	v7 =	vsel vm0, $0x1, v0;
	v6 =	vsel vm2, v4, v6  }
0x2f: {  	v7 =	vsel vm1, $0x2, v7;
	vm0 =	vgt.f32 v5, v6  }
0x30: {  	v7 =	vsel vm2, $0x3, v7;
	vm0 =	vmneg vm0  }
0x31: {  	v7 =	vnsel vm0, $0x4, v7  }
0x32: {  	vm4 =	veq.s32 v7, $0x0;
	vm3 =	veq.s32 v7, $0x1  }
0x33: {  	v1 =	vsel vm4, $0xF149F2CA, v1;
	v2 =	vsel vm3, $0xF149F2CA, v2  }
0x34: {  	vm1 =	veq.s32 v7, $0x2;
	vm5 =	vgt.f32 v2, v1  }
0x35: {  	v1 =	vsel vm5, v2, v1;
	v2 =	vsel vm1, $0xF149F2CA, v3  }
0x36: {  	vm2 =	vmand vm2, vm0;
	vm6 =	vgt.f32 v2, v1  }
0x37: {  	v1 =	vsel vm6, v2, v1;
	v2 =	vsel vm2, $0xF149F2CA, v4  }
0x38: {  	s31 =	simm.s32 $0x10;
	[tilespmem:s30+$0x2800] =	vst v7;
	vm7 =	vgt.f32 v2, v1  }
0x39: {  	v7 =	vld [tilespmem:s31+$0x400];
	v3 =	vsel vm5, $0x1, v0;
	v1 =	vsel vm7, v2, v1;
	v2 =	vnsel vm0, $0xF149F2CA, v5  }
0x3a: {  	v9 =	vimm.s32 $0x0;
	v4 =	vld [tilespmem:s31+$0x0];
	v3 =	vsel vm6, $0x2, v3;
	vm5 =	vgt.f32 v2, v1  }
0x3b: {  	v3 =	vsel vm7, $0x3, v3;
	vm0 =	vmmov vm0;
	vm8 =	vmneg vm5  }
0x3c: {  	v5 =	vsel vm0, v6, v5;
	v6 =	vld [tilespmem:s31+$0x800];
	v1 =	vsel vm8, v1, v2;
	v2 =	vnsel vm8, $0x4, v3  }
0x3d: {  	v61 =	vimm.s32 $0x0;
	v62 =	vimm.s32 $0x0;
	v1 =	vsub.f32 v1, v5;
	[tilespmem:s30+$0x2C00] =	vst v2  }
0x3e: {  	v63 =	vimm.s32 $0x0;
	vm4 =	vmmov vm4;
	vm3 =	vmmov vm3;
	v5 =	vld [tilespmem:s31+$0xC00]  }
0x3f: {  	v9 =	vsel vm4, $0xFFFFFFFF, v9;
	vm5 =	vgt.f32 v7, v4;
	v3 =	vmul.f32 $1.442695020e+00, v1  }
0x40: {  	[tilespmem:$0x1FFB0] =	vst v9;
	v9 =	vsel vm3, $0xFFFFFFFF, v61;
	vm1 =	vmmov vm1;
	v8 =	vsel vm5, v7, v4;
	v1 =	vld [tilespmem:s31+$0x1000]  }
0x41: {  	vm15 =	vmmov vm0;
	vm6 =	vgt.f32 v6, v8;
	(erf) = vpow2.f32 v3  }
0x42: {  	vm13 =	vmand vm7, vm8;
	vm3 =	veq.s32 v2, $0x0;
	v3 =	vsel vm6, v6, v8  }
0x43: {  	vm11 =	veq.s32 v2, $0x1;
	vm12 =	veq.s32 v2, $0x2;
	vm9 =	vgt.f32 v5, v3  }
0x44: {  	v2 =	vimm.s32 $0x0;
	v8 =	vsel vm5, $0x1, v0;
	v3 =	vsel vm9, v5, v3  }
0x45: {  	vm13 =	vmmov vm13;
	v8 =	vsel vm6, $0x2, v8;
	vm5 =	vgt.f32 v1, v3  }
0x46: {  	v2 =	vsel vm1, $0xFFFFFFFF, v2;
	v8 =	vsel vm9, $0x3, v8;
	vm4 =	vmneg vm5  }
0x47: {  	vm1 =	vmmov vm2;
	vm10 =	vmmov vm3;
	v8 =	vnsel vm4, $0x4, v8  }
0x48: {  	[tilespmem:$0x1FFC0] =	vst v9;
	v9 =	vsel vm1, $0xFFFFFFFF, v62;
	vm6 =	veq.s32 v8, $0x0;
	vm5 =	veq.s32 v8, $0x1  }
0x49: {  	vm1 =	vmmov vm8;
	v4 =	vsel vm6, $0xF149F2CA, v4;
	v7 =	vsel vm5, $0xF149F2CA, v7  }
0x4a: {  	[tilespmem:$0x1FFD0] =	vst v2;
	vm8 =	vmand vm9, vm4;
	vm7 =	veq.s32 v8, $0x2;
	v2 =	vpop (erf);
	vm14 =	vgt.f32 v7, v4  }
0x4b: {  	v6 =	vsel vm7, $0xF149F2CA, v6;
	v4 =	vsel vm14, v7, v4;
	v7 =	vadd.f32 $1.000000000e+00, v2  }
0x4c: {  	vm11 =	vmmov vm11;
	v5 =	vsel vm8, $0xF149F2CA, v5;
	vm2 =	vgt.f32 v6, v4  }
0x4d: {  	(erf) = vrcp.f32 v7;
	v7 =	vsel vm14, $0x1, v0;
	v4 =	vsel vm2, v6, v4  }
0x4e: {  	[tilespmem:$0x1FFE0] =	vst v9;
	v9 =	vsel vm1, $0xFFFFFFFF, v63;
	v6 =	vsel vm2, $0x2, v7;
	vm14 =	vgt.f32 v5, v4  }
0x4f: {  	s0 =	simm.s32 $0x20;
	[tilespmem:s31+$0x2800] =	vst v8;
	v5 =	vsel vm14, v5, v4;
	v7 =	vsel vm14, $0x3, v6;
	v6 =	vnsel vm4, $0xF149F2CA, v1  }
0x50: {  	s1 =	simm.s32 $0xC0;
	vm12 =	vmmov vm12;
	[tilespmem:$0x1FFF0] =	vst v9;
	vm3 =	vmmov vm4;
	v4 =	vld [tilespmem:s0+$0x0];
	vm0 =	vgt.f32 v6, v5  }
.LBB2_2:
0x51: {  	vm2 =	vmneg vm0  }
0x52: {  	v1 =	vsel vm3, v3, v1;
	v3 =	vsel vm2, v5, v6;
	v5 =	vnsel vm2, $0x4, v7  }
0x53: {  	v9 =	vld [tilespmem:$0x1FFB0];
	v1 =	vsub.f32 v3, v1;
	vm1 =	veq.s32 v5, $0x2;
	v3 =	vimm.s32 $0x0  }
0x54: {  	v3 =	vsel vm1, $0xFFFFFFFF, v3  }
0x55: {  	v55 =	vld [tilespmem:$0x1FFC0];
	vm1 =	vmand vm14, vm2;
	[tilespmem:$0x1FF90] =	vst v3;
	v3 =	vimm.s32 $0x0  }
0x56: {  	v3 =	vsel vm1, $0xFFFFFFFF, v3  }
0x57: {  	vm1 =	vmmov vm7;
	[tilespmem:$0x1FFA0] =	vst v3;
	v3 =	vimm.s32 $0x0  }
0x58: {  	v54 =	vimm.s32 $0x0;
	v57 =	vld [tilespmem:$0x1FFD0];
	vm0 =	vnez.u8 v9;
	v3 =	vsel vm1, $0xFFFFFFFF, v3  }
0x59: {  	vm9 =	vmmov vm0;
	vm0 =	vmmov vm6;
	[tilespmem:$0x1FFD0] =	vst v3;
	v3 =	vmul.f32 $1.442695020e+00, v1;
	v1 =	vld [tilespmem:$0x1FFE0]  }
0x5a: {  	v9 =	vsel vm0, $0xFFFFFFFF, v54;
	vm0 =	vnez.u8 v55  }
0x5b: {  	v8 =	vld [tilespmem:s0+$0x400];
	v56 =	vimm.s32 $0x0;
	vm6 =	vmmov vm0;
	vm0 =	vmmov vm5  }
0x5c: {  	v6 =	vld [tilespmem:s0+$0x800];
	vm4 =	veq.s32 v5, $0x1;
	[tilespmem:$0x1FFB0] =	vst v9;
	v7 =	vpop (erf);
	v9 =	vsel vm0, $0xFFFFFFFF, v56  }
0x5d: {  	vm0 =	vnez.u8 v57;
	v2 =	vmul.f32 v7, v2;
	(erf) = vpow2.f32 v3;
	v3 =	vld [tilespmem:$0x1FFF0]  }
0x5e: {  	[tilespmem:s31+$0x2C00] =	vst v5;
	vm5 =	vmmov vm0;
	vm0 =	veq.s32 v5, $0x0;
	vm1 =	vnez.u8 v1  }
0x5f: {  	v5 =	vld [tilespmem:s0+$0xC00];
	v1 =	vimm.s32 $0x0;
	vm7 =	vmmov vm1;
	vm1 =	vmmov vm8  }
0x60: {  	vm14 =	vgt.f32 v8, v4;
	v1 =	vsel vm1, $0xFFFFFFFF, v1  }
0x61: {  	v58 =	vsel vm14, v8, v4;
	v13 =	vsel vm14, $0x1, v0;
	v10 =	vnsel vm10, $0x0, v2;
	[tilespmem:$0x1FFE0] =	vst v1;
	v1 =	vld [tilespmem:s0+$0x1000]  }
0x62: {  	v11 =	vnsel vm11, $0x0, v2;
	vm1 =	vgt.f32 v6, v58;
	vm8 =	vnez.u8 v3  }
0x63: {  	[tilespmem:$0x1FFC0] =	vst v9;
	v12 =	vnsel vm12, $0x0, v2;
	v3 =	vsel vm8, $0x0, v2;
	v9 =	vsel vm1, v6, v58  }
0x64: {  	v59 =	vsel vm9, v7, v10;
	v3 =	vsel vm15, v3, v7;
	vm8 =	vgt.f32 v5, v9  }
0x65: {  	v61 =	vsel vm6, v7, v11;
	v62 =	vsel vm5, v7, v12;
	[tilespmem:s30+$0x2400] =	vst v3;
	v3 =	vsel vm8, v5, v9  }
0x66: {  	v2 =	vnsel vm13, $0x0, v2;
	v60 =	vsel vm1, $0x2, v13;
	vm1 =	vgt.f32 v1, v3  }
0x67: {  	v63 =	vsel vm7, v7, v2;
	v10 =	vsel vm8, $0x3, v60;
	vm9 =	vmneg vm1  }
0x68: {  	v7 =	vimm.s32 $0x0;
	vm1 =	vmmov vm2;
	v10 =	vnsel vm9, $0x4, v10  }
0x69: {  	v7 =	vsel vm1, $0xFFFFFFFF, v7;
	vm6 =	veq.s32 v10, $0x0;
	vm5 =	veq.s32 v10, $0x1  }
0x6a: {  	[tilespmem:$0x1FFF0] =	vst v7;
	v4 =	vsel vm6, $0xF149F2CA, v4;
	v7 =	vsel vm5, $0xF149F2CA, v8  }
0x6b: {  	vm10 =	vmmov vm0;
	vm7 =	veq.s32 v10, $0x2;
	vm0 =	vgt.f32 v7, v4  }
0x6c: {  	v6 =	vsel vm7, $0xF149F2CA, v6;
	v4 =	vsel vm0, v7, v4  }
0x6d: {  	v7 =	vsel vm0, $0x1, v0;
	vm0 =	vgt.f32 v6, v4  }
0x6e: {  	v4 =	vsel vm0, v6, v4;
	v6 =	vsel vm0, $0x2, v7;
	v7 =	vld [tilespmem:$0x1FF90];
	_ =	sdelay $0x4  }
0x6f: {  	vm0 =	vnez.u8 v7;
	v7 =	vld [tilespmem:$0x1FFA0]  }
0x70: {  	p0 =	sne.s32 s1, $0xFC0;
	[tilespmem:s30+$0x1400] =	vst v59;
	vm8 =	vmand vm8, vm9  }
.Ltmp0:
0x71: {  	vm11 =	vmmov vm4;
	[tilespmem:s30+$0x1800] =	vst v61;
	v5 =	vsel vm8, $0xF149F2CA, v5;
	(pc) =	sbr.rel @p0 .LBB2_2-.Ltmp0, $4  }
0x72: {  	[tilespmem:s30+$0x1C00] =	vst v62;
	vm15 =	vmmov vm3;
	v2 =	vpop (erf);
	vm3 =	vmmov vm9;
	vm14 =	vgt.f32 v5, v4  }
0x73: {  	[tilespmem:s30+$0x2000] =	vst v63;
	s30 =	smov.u32 s31;
	s31 =	smov.u32 s0;
	v8 =	vadd.f32 $1.000000000e+00, v2;
	v5 =	vsel vm14, v5, v4;
	vm12 =	vmmov vm0  }
0x74: {  	s0 =	sshra.s32 s1, $0x2;
	[tilespmem:s31+$0x2800] =	vst v10;
	vm0 =	vnez.u8 v7;
	v7 =	vsel vm14, $0x3, v6;
	v6 =	vnsel vm9, $0xF149F2CA, v1  }
0x75: {  	s1 =	sadd.s32 $0x40, s1;
	(erf) = vrcp.f32 v8;
	v4 =	vld [tilespmem:s0+$0x0];
	vm13 =	vmmov vm0;
	vm0 =	vgt.f32 v6, v5  }
0x76: {  	v8 =	vld [tilespmem:s0+$0x400]  }
0x77: {  	vm2 =	vmneg vm0  }
0x78: {  	v9 =	vld [tilespmem:s0+$0x800];
	v7 =	vnsel vm2, $0x4, v7  }
0x79: {  	[tilespmem:s31+$0x2C00] =	vst v7  }
0x7a: {  	v10 =	vld [tilespmem:s0+$0xC00]  }
0x7b: {  	v1 =	vsel vm3, v3, v1;
	v3 =	vsel vm2, v5, v6;
	vm4 =	vgt.f32 v8, v4  }
0x7c: {  	v1 =	vsub.f32 v3, v1;
	v11 =	vld [tilespmem:s0+$0x1000];
	v12 =	vsel vm4, v8, v4  }
0x7d: {  	vm1 =	vgt.f32 v9, v12  }
0x7e: {  	v1 =	vmul.f32 $1.442695020e+00, v1;
	v12 =	vsel vm1, v9, v12  }
0x7f: {  	vm0 =	vgt.f32 v10, v12  }
0x80: {  	v13 =	vsel vm4, $0x1, v0;
	(erf) = vpow2.f32 v1;
	v12 =	vsel vm0, v10, v12  }
0x81: {  	v13 =	vsel vm1, $0x2, v13;
	vm9 =	vgt.f32 v11, v12  }
0x82: {  	v3 =	vsel vm0, $0x3, v13;
	vm1 =	vmneg vm9  }
0x83: {  	v27 =	vimm.s32 $0x0;
	v3 =	vnsel vm1, $0x4, v3  }
0x84: {  	v28 =	vimm.s32 $0x0;
	v1 =	vimm.s32 $0x0;
	vm4 =	veq.s32 v3, $0x0  }
0x85: {  	vm9 =	veq.s32 v3, $0x1;
	v5 =	vsel vm4, $0xFFFFFFFF, v27;
	v29 =	vsel vm4, $0xF149F2CA, v4  }
0x86: {  	v30 =	vsel vm9, $0xF149F2CA, v8;
	[tilespmem:$0x1FF50] =	vst v5;
	v5 =	vsel vm9, $0xFFFFFFFF, v28;
	vm9 =	veq.s32 v3, $0x2  }
0x87: {  	vm4 =	vgt.f32 v30, v29;
	v1 =	vsel vm9, $0xFFFFFFFF, v1  }
0x88: {  	v38 =	vpop (erf);
	v31 =	vsel vm9, $0xF149F2CA, v9;
	[tilespmem:$0x1FF70] =	vst v1;
	v1 =	vsel vm4, v30, v29  }
0x89: {  	v32 =	vimm.s32 $0x0;
	vm0 =	vmand vm0, vm1;
	v39 =	vpop (erf);
	vm9 =	vgt.f32 v31, v1  }
0x8a: {  	v33 =	vsel vm0, $0xF149F2CA, v10;
	v40 =	vadd.f32 $1.000000000e+00, v39;
	v1 =	vsel vm9, v31, v1  }
0x8b: {  	v34 =	vimm.s32 $0x0;
	[tilespmem:$0x1FF60] =	vst v5;
	v5 =	vsel vm0, $0xFFFFFFFF, v32;
	vm0 =	vgt.f32 v33, v1  }
0x8c: {  	v35 =	vnsel vm1, $0xF149F2CA, v11;
	(erf) = vrcp.f32 v40;
	v1 =	vsel vm0, v33, v1  }
0x8d: {  	[tilespmem:$0x1FF80] =	vst v5;
	v5 =	vsel vm0, $0xFFFFFFFF, v34;
	vm0 =	vgt.f32 v35, v1  }
0x8e: {  	vm1 =	vmmov vm1;
	vm0 =	vmneg vm0  }
0x8f: {  	v37 =	vsel vm1, v12, v11;
	v1 =	vsel vm0, v1, v35  }
0x90: {  	v1 =	vsub.f32 v1, v37  }
0x91: {  	v41 =	vld [tilespmem:$0x1FFF0]  }
0x92: {  	v44 =	vld [tilespmem:$0x1FFB0];
	v1 =	vmul.f32 $1.442695020e+00, v1  }
0x93: {  	v47 =	vld [tilespmem:$0x1FFC0]  }
0x94: {  	v48 =	vld [tilespmem:$0x1FFD0];
	v51 =	vsel vm4, $0x1, v0;
	(erf) = vpow2.f32 v1  }
0x95: {  	v36 =	vimm.s32 $0x0;
	v50 =	vld [tilespmem:$0x1FFE0];
	v6 =	vsel vm9, $0x2, v51;
	v43 =	vpop (erf);
	v1 =	vmul.f32 v38, v2  }
0x96: {  	vm9 =	vmmov vm5;
	[tilespmem:$0x1FF30] =	vst v5;
	v5 =	vsel vm1, $0xFFFFFFFF, v36;
	v4 =	vmul.f32 v43, v39  }
0x97: {  	v2 =	vnsel vm10, $0x0, v1;
	vm10 =	vnez.u8 v41;
	v42 =	vnsel vm11, $0x0, v1  }
0x98: {  	[tilespmem:$0x1FF40] =	vst v5;
	v45 =	vnsel vm12, $0x0, v1;
	v5 =	vsel vm10, $0x0, v1;
	vm10 =	vnez.u8 v44  }
0x99: {  	vm11 =	vnez.u8 v47;
	vm12 =	vnez.u8 v48;
	vm1 =	vmmov vm10  }
0x9a: {  	v1 =	vnsel vm13, $0x0, v1;
	vm13 =	vnez.u8 v50;
	v2 =	vsel vm1, v38, v2  }
0x9b: {  	v5 =	vsel vm15, v5, v38;
	vm10 =	vmmov vm12;
	vm15 =	veq.s32 v7, $0x0;
	[tilespmem:s30+$0x1400] =	vst v2;
	v2 =	vld [tilespmem:$0x1FF30]  }
0x9c: {  	vm12 =	vmand vm14, vm2;
	vm2 =	vmmov vm2;
	vm14 =	veq.s32 v7, $0x2  }
0x9d: {  	vm1 =	vmmov vm11;
	v10 =	vsel vm10, v38, v45;
	vm10 =	vmmov vm15;
	v46 =	vpop (erf)  }
0x9e: {  	[tilespmem:s30+$0x2400] =	vst v5;
	v8 =	vsel vm1, v38, v42;
	vm1 =	vmmov vm13;
	v49 =	vadd.f32 $1.000000000e+00, v46  }
0x9f: {  	vm11 =	veq.s32 v7, $0x1;
	v53 =	vsel vm2, $0x0, v4;
	[tilespmem:s30+$0x1C00] =	vst v10;
	v1 =	vsel vm1, v38, v1  }
0xa0: {  	vm1 =	vmmov vm11;
	[tilespmem:s30+$0x1800] =	vst v8;
	vm11 =	vnez.u8 v2;
	(erf) = vrcp.f32 v49  }
0xa1: {  	v60 =	vld [tilespmem:$0x1FF40];
	v14 =	vnsel vm1, $0x0, v4;
	vm1 =	vmmov vm14;
	[tilespmem:s30+$0x2000] =	vst v1;
	v2 =	vsel vm11, $0x3, v6  }
0xa2: {  	v54 =	vnsel vm1, $0x0, v4;
	vm1 =	vmmov vm9;
	[tilespmem:s0+$0x2800] =	vst v3;
	v2 =	vnsel vm0, $0x4, v2  }
0xa3: {  	vm15 =	vmmov vm6;
	vm6 =	vmmov vm12;
	v1 =	vsel vm1, v43, v14;
	[tilespmem:s0+$0x2C00] =	vst v2  }
0xa4: {  	vm12 =	vmmov vm8;
	v52 =	vnsel vm10, $0x0, v4;
	vm13 =	vmmov vm3;
	[tilespmem:s31+$0x1800] =	vst v1;
	v1 =	vld [tilespmem:$0x1FF50]  }
0xa5: {  	vm2 =	vmmov vm15;
	vm10 =	vmmov vm7;
	vm3 =	vmmov vm12  }
0xa6: {  	v62 =	vld [tilespmem:$0x1FF70];
	vm7 =	vnez.u8 v60;
	v55 =	vsel vm2, v43, v52;
	vm2 =	vmmov vm10  }
0xa7: {  	v63 =	vld [tilespmem:$0x1FF80];
	v13 =	vsel vm13, v53, v43;
	v4 =	vnsel vm6, $0x0, v4;
	v3 =	vsel vm2, v43, v54  }
0xa8: {  	v4 =	vsel vm3, v43, v4;
	vm15 =	vmand vm11, vm0;
	vm0 =	vmmov vm0  }
0xa9: {  	vm2 =	vmmov vm15;
	vm13 =	veq.s32 v2, $0x0;
	vm9 =	vnez.u8 v1;
	v1 =	vld [tilespmem:$0x1FF60];
	v56 =	vpop (erf)  }
0xaa: {  	vm14 =	veq.s32 v2, $0x1;
	vm8 =	veq.s32 v2, $0x2;
	v57 =	vmul.f32 v56, v46  }
0xab: {  	vm1 =	vmmov vm13;
	vm6 =	vmmov vm14;
	vm13 =	vnez.u8 v62  }
0xac: {  	[tilespmem:s31+$0x2400] =	vst v13;
	vm14 =	vnez.u8 v63;
	v58 =	vnsel vm1, $0x0, v57;
	v59 =	vsel vm0, $0x0, v57  }
0xad: {  	[tilespmem:s31+$0x1400] =	vst v55;
	vm1 =	vmmov vm7;
	v61 =	vnsel vm6, $0x0, v57;
	vm0 =	vmmov vm8  }
0xae: {  	[tilespmem:s31+$0x1C00] =	vst v3;
	v9 =	vsel vm1, v59, v56;
	vm1 =	vmmov vm9;
	vm10 =	vnez.u8 v1  }
0xaf: {  	[tilespmem:s31+$0x2000] =	vst v4;
	v1 =	vnsel vm0, $0x0, v57;
	vm0 =	vmmov vm13;
	vm11 =	vmmov vm1  }
0xb0: {  	vm3 =	vmmov vm10;
	[tilespmem:s0+$0x2400] =	vst v9;
	vm0 =	vmmov vm0;
	v2 =	vsel vm11, v56, v58  }
0xb1: {  	vm1 =	vmmov vm14;
	vm12 =	vmmov vm3;
	v1 =	vsel vm0, v56, v1;
	[tilespmem:s0+$0x1400] =	vst v2  }
0xb2: {  	vm15 =	vmmov vm1;
	v3 =	vsel vm12, v56, v61;
	v2 =	vnsel vm2, $0x0, v57;
	[tilespmem:s0+$0x1C00] =	vst v1  }
0xb3: {  	[tilespmem:s0+$0x1800] =	vst v3;
	v2 =	vsel vm15, v56, v2  }
0xb4: {  	[tilespmem:s0+$0x2000] =	vst v2  }
0xb5: {  	[hbm4b:s8+s2] =	stream.linear.scatter [tilespmem:s21], [sflag:$0x1], $0x400, $0x38;
	[tilespmem:$0x3000] =	vst v63  }
0xb6: {  	_ =	swait.ge [sflag:s16], $0x400  }
0xb7: {  	[sflag:s16] =	ssyncset.done $0x0  }
0xb8: {  	[sflag:s16] =	ssyncadd.s32 $0xFFFFFC00  }
0xb9: {  	[hbm4b:s9+s2] =	stream.linear.scatter [tilespmem:s22], [sflag:$0x1], $0x400, $0x38;
	[tilespmem:$0x3000] =	vst v63  }
0xba: {  	_ =	swait.ge [sflag:s16], $0x400  }
0xbb: {  	[sflag:s16] =	ssyncset.done $0x0  }
0xbc: {  	[sflag:s16] =	ssyncadd.s32 $0xFFFFFC00  }
0xbd: {  	[hbm4b:s10+s2] =	stream.linear.scatter [tilespmem:s23], [sflag:$0x1], $0x400, $0x38;
	[tilespmem:$0x3000] =	vst v63  }
0xbe: {  	_ =	swait.ge [sflag:s16], $0x400  }
0xbf: {  	[sflag:s16] =	ssyncset.done $0x0  }
0xc0: {  	[sflag:s16] =	ssyncadd.s32 $0xFFFFFC00  }
0xc1: {  	[hbm4b:s11+s2] =	stream.linear.scatter [tilespmem:s24], [sflag:$0x1], $0x400, $0x38;
	[tilespmem:$0x3000] =	vst v63  }
0xc2: {  	_ =	swait.ge [sflag:s16], $0x400  }
0xc3: {  	[sflag:s16] =	ssyncset.done $0x0  }
0xc4: {  	[sflag:s16] =	ssyncadd.s32 $0xFFFFFC00  }
0xc5: {  	[hbm4b:s12+s2] =	stream.linear.scatter [tilespmem:s25], [sflag:$0x1], $0x400, $0x38;
	[tilespmem:$0x3000] =	vst v63  }
0xc6: {  	_ =	swait.ge [sflag:s16], $0x400  }
0xc7: {  	[sflag:s16] =	ssyncset.done $0x0  }
0xc8: {  	[sflag:s16] =	ssyncadd.s32 $0xFFFFFC00  }
0xc9: {  	[hbm4b:s13+s2] =	stream.linear.scatter [tilespmem:s26], [sflag:$0x1], $0x400, $0x38;
	[tilespmem:$0x3000] =	vst v63  }
0xca: {  	s29 =	sadd.s32 $0x1, s29;
	_ =	swait.ge [sflag:s16], $0x400  }
0xcb: {  	p0 =	sne.s32 s29, s15;
	[sflag:s16] =	ssyncset.done $0x0  }
.Ltmp1:
0xcc: {  	[sflag:s16] =	ssyncadd.s32 $0xFFFFFC00;
	(pc) =	sbr.rel @p0 .LBB2_1-.Ltmp1, $4  }
0xcd: {  	[hbm4b:s14+s2] =	stream.linear.scatter [tilespmem:s28], [sflag:$0x1], $0x400, $0x38;
	[tilespmem:$0x3000] =	vst v63  }
0xce: {  	_ =	swait.ge [sflag:s16], $0x400  }
0xcf: {  	[sflag:s16] =	ssyncset.done $0x0  }
0xd0: {  	[sflag:s16] =	ssyncadd.s32 $0xFFFFFC00  }
0xd1: {  	_ =	sfence.sel $0x180000  }
0xd2: {  	[bflag:$0x0] =	sbarrier.arrive $0xFFFF  }
0xd3: {  	_ =	strace $0x90000047  }
0xd4: {  	s0 =	stileid.u32;
	[bflag:$0x2] =	sbarrier.arrive $0xFFFF  }
0xd5: {  	p0 =	sne.s32 s0, $0x0;
	s0 =	rddreg [dreg:$0x2]  }
0xd6: {  	s0 =	sadd.s32 @!p0 $0x100000, s0  }
0xd7: {  	[sflag:s0] =	ssyncadd.tile.s32 @!p0 $0x1;
	_ =	shalt  }
.Lfunc_end2:
_tile_overlayer_lowered:
.L_overlay_start_2:
0xd8: {  	(tag) =	ssettag $0x2  }
0xd9: {  	s0 =	rddreg [dreg:$0x0];
	s2 =	stileid.u32  }
0xda: {  	s1 =	rddreg [dreg:$0x1];
	p0 =	sne.s32 s2, $0x0  }
0xdb: {  	s3 =	rddreg [dreg:$0x2];
	[bflag:$0x3] =	sbarrier.arrive $0xFFFF;
	s2 =	simm.s32 @!p0 $0x1C01  }
0xdc: {  	[timem:s3], [sflag:s2] =	dma.local @!p0 [hbm:s0], s1  }
0xdd: {  	s0 =	simm.s32 @!p0 $0x1  }
0xde: {  	_ =	swait.ge @!p0 [sflag:s0], s1  }
0xdf: {  	s1 =	ssub.s32 @!p0 $0x0, s1;
	[sflag:s0] =	ssyncset.done @!p0 $0x0  }
0xe0: {  	[sflag:s0] =	ssyncadd.s32 @!p0 s1  }
0xe1: {  	[bflag:$0x3] =	sbarrier.arrive $0xFFFF  }
0xe2: {  	_ =	shalt  }

</sc_bundles>
